<compile_context>
chip_gen: v7x
topology: tpu7x:2x2x1
jax: 0.10.2.dev20260603
libtpu: 0.0.44.dev20260713+nightly
codegen_flags: <defaults>
</compile_context>

<pallas_src>
import functools

import jax
import jax.numpy as jnp
from jax import lax
from jax.experimental import pallas as pl
from jax.experimental.pallas import tpu as pltpu
from jax.experimental.pallas import tpu_sc as plsc

NC = 2
NS = 16
NW = NC * NS
CB = 2
NBUF = 4
LA = 2


@functools.lru_cache(maxsize=None)
def _dual_gather(B: int, L: int, D: int):
    bpw = B // NW
    n_chunks = bpw // CB
    n_groups = n_chunks // NBUF
    mesh = plsc.VectorSubcoreMesh(core_axis_name="c", subcore_axis_name="s")

    @functools.partial(
        pl.kernel,
        out_type=(
            jax.ShapeDtypeStruct((B, L, D), jnp.float32),
            jax.ShapeDtypeStruct((B, L, D), jnp.float32),
        ),
        mesh=mesh,
        scratch_types=[
            pltpu.VMEM((bpw, L), jnp.int32),
            pltpu.VMEM((NBUF, CB, L, D), jnp.float32),
            pltpu.VMEM((NBUF, CB, L, D), jnp.float32),
            pltpu.SemaphoreType.DMA((NBUF,)),
            pltpu.SemaphoreType.DMA((NBUF,)),
            pltpu.SemaphoreType.DMA((NBUF,)),
            pltpu.SemaphoreType.DMA((NBUF,)),
        ],
        compiler_params=pltpu.CompilerParams(use_tc_tiling_on_sc=False),
    )
    def k(idx_hbm, amp_hbm, ph_hbm, amp_out, ph_out,
          idx_v, abuf, pbuf, ga_sem, gp_sem, oa_sem, op_sem):
        wid = lax.axis_index("s") * NC + lax.axis_index("c")
        b0 = wid * bpw

        pltpu.sync_copy(idx_hbm.at[pl.ds(b0, bpw), :], idx_v)

        def gather_descs(j, s):
            res = []
            for p in range(CB):
                ib = idx_v.at[CB * j + p]
                res.append(pltpu.make_async_copy(
                    amp_hbm.at[ib], abuf.at[s, p], ga_sem.at[s]))
                res.append(pltpu.make_async_copy(
                    ph_hbm.at[ib], pbuf.at[s, p], gp_sem.at[s]))
            return res

        def out_descs(j, s):
            sl = pl.ds(b0 + CB * j, CB)
            return (
                pltpu.make_async_copy(abuf.at[s], amp_out.at[sl], oa_sem.at[s]),
                pltpu.make_async_copy(pbuf.at[s], ph_out.at[sl], op_sem.at[s]),
            )

        for j in range(LA):
            for d in gather_descs(j, j % NBUF):
                d.start()

        def group(g, carry):
            for s in range(NBUF):
                j = g * NBUF + s
                for d in gather_descs(j, s):
                    d.wait()
                oa, op = out_descs(j, s)
                oa.start()
                op.start()
                sn = (s + LA) % NBUF
                jn = j + LA

                @pl.when(jn >= NBUF)
                def _drain():
                    poa, pop = out_descs(jn - NBUF, sn)
                    poa.wait()
                    pop.wait()

                @pl.when(jn < n_chunks)
                def _prefetch():
                    for d in gather_descs(jn, sn):
                        d.start()
            return carry

        lax.fori_loop(0, n_groups, group, 0)

        for j in range(n_chunks - (NBUF - LA), n_chunks):
            oa, op = out_descs(j, j % NBUF)
            oa.wait()
            op.wait()

    return k


def kernel(indices, amplitude_table, phase_table):
    B, L = indices.shape
    _, D = amplitude_table.shape
    return _dual_gather(B, L, D)(indices, amplitude_table, phase_table)

# --- scband reference (transcript-rebuilt; emitter-appended) ---
"""Pipeline reference for scband-complex-embedding-7327214207695 (READ-ONLY COPY).

The authoritative reference and input builder live on the scoring server;
editing this copy changes nothing except your own understanding.
"""

import math
import jax, jax.numpy as jnp
import numpy as np

VOCAB = 100000
D = 64
B = 4096
L = 50


def setup_inputs(seed: int = 0) -> dict:
    key = jax.random.key(seed)
    k1, k2 = jax.random.split(key)
    # base pretrained embedding matrix (as passed to __init__)
    embedding_matrix = jax.random.normal(k1, (VOCAB, D), dtype=jnp.float32)
    # __init__ preprocessing (sentiment_lexicon is None branch):
    sign_matrix = jnp.sign(embedding_matrix)
    amplitude_table = sign_matrix * embedding_matrix
    phase_table = math.pi * (1.0 - sign_matrix) / 2.0
    indices = jax.random.randint(k2, (B, L), 0, VOCAB, dtype=jnp.int32)
    return {
        "indices": indices,
        "amplitude_table": amplitude_table,
        "phase_table": phase_table,
    }


def reference(indices, amplitude_table, phase_table):
    # forward: two embedding lookups with the same indices
    amplitude_embed = jnp.take(amplitude_table, indices, axis=0)
    phase_embed = jnp.take(phase_table, indices, axis=0)
    return (amplitude_embed, phase_embed)

if __name__ == "__main__":
    import jax
    _d = setup_inputs()
    print(jax.jit(kernel)(*tuple(_d.values())))

</pallas_src>

<mosaic_0001>
#map = affine_map<(d0, d1) -> (0, 0)>
#map1 = affine_map<(d0, d1) -> (0, 0, 0)>
module attributes {stable_mosaic.version = 14 : i64} {
  func.func @k(%arg0: i32, %arg1: i32, %arg2: memref<4096x50xi32, #tpu.memory_space<hbm>>, %arg3: memref<100000x64xf32, #tpu.memory_space<hbm>>, %arg4: memref<100000x64xf32, #tpu.memory_space<hbm>>, %arg5: memref<4096x50x64xf32, #tpu.memory_space<hbm>>, %arg6: memref<4096x50x64xf32, #tpu.memory_space<hbm>>, %arg7: memref<128x50xi32, #tpu.memory_space<vmem>>, %arg8: memref<4x2x50x64xf32, #tpu.memory_space<vmem>>, %arg9: memref<4x2x50x64xf32, #tpu.memory_space<vmem>>, %arg10: memref<4x!tpu.dma_semaphore, #tpu.memory_space<semaphore_mem>>, %arg11: memref<4x!tpu.dma_semaphore, #tpu.memory_space<semaphore_mem>>, %arg12: memref<4x!tpu.dma_semaphore, #tpu.memory_space<semaphore_mem>>, %arg13: memref<4x!tpu.dma_semaphore, #tpu.memory_space<semaphore_mem>>) attributes {dimension_semantics = [#tpu.dimension_semantics<core_parallel>, #tpu.dimension_semantics<subcore_parallel>], iteration_bounds = array<i64: 2, 16>, scalar_prefetch = 0 : i64, scratch_operands = 7 : i64, tpu.core_type = #tpu.core_type<sc_vector_subcore>, window_params = [{transform_indices = #map}, {transform_indices = #map}, {transform_indices = #map}, {transform_indices = #map1}, {transform_indices = #map1}]} {
    %mul3A = arith.constant 2 : i32
    %mul3A_0 = arith.muli %arg1, %mul3A : i32
    %add3A = arith.addi %mul3A_0, %arg0 : i32
    %mul3A_1 = arith.constant 128 : i32
    %mul3A_2 = arith.muli %add3A, %mul3A_1 : i32
    "tpu.region"() ({
      %run_scoped3A = tpu.sem_alloc : memref<!tpu.dma_semaphore, #tpu.memory_space<semaphore_mem>>
      %dma_start3A_218 = arith.constant 0 : i32
      %dma_start3A_219 = tpu.memref_slice %arg2[%mul3A_2, %dma_start3A_218] : memref<4096x50xi32, #tpu.memory_space<hbm>> -> memref<128x50xi32, #tpu.memory_space<hbm>>
      %dma_start3A_220 = arith.constant 0 : i32
      %dma_start3A_221 = tpu.memref_slice %arg2[%mul3A_2, %dma_start3A_220] : memref<4096x50xi32, #tpu.memory_space<hbm>> -> memref<128x50xi32, #tpu.memory_space<hbm>>
      tpu.enqueue_dma source(%dma_start3A_221 : memref<128x50xi32, #tpu.memory_space<hbm>>) target(%arg7 : memref<128x50xi32, #tpu.memory_space<vmem>>) target_semaphore(%run_scoped3A : memref<!tpu.dma_semaphore, #tpu.memory_space<semaphore_mem>>)
      %dma_wait3A_222 = arith.constant 0 : i32
      %dma_wait3A_223 = tpu.memref_slice %arg2[%mul3A_2, %dma_wait3A_222] : memref<4096x50xi32, #tpu.memory_space<hbm>> -> memref<128x50xi32, #tpu.memory_space<hbm>>
      %dma_wait3A_224 = arith.constant 0 : i32
      %dma_wait3A_225 = tpu.memref_slice %arg2[%mul3A_2, %dma_wait3A_224] : memref<4096x50xi32, #tpu.memory_space<hbm>> -> memref<128x50xi32, #tpu.memory_space<hbm>>
      tpu.wait_dma2 semaphore(%run_scoped3A : memref<!tpu.dma_semaphore, #tpu.memory_space<semaphore_mem>>) src(%dma_wait3A_225 : memref<128x50xi32, #tpu.memory_space<hbm>>) dst(%arg7 : memref<128x50xi32, #tpu.memory_space<vmem>>)
      tpu.yield
    }) : () -> ()
    %dma_start3A = arith.constant 0 : i32
    %dma_start3A_3 = arith.constant 0 : i32
    %dma_start3A_4 = arith.constant 0 : i32
    %dma_start3A_5 = arith.constant 0 : i32
    %dma_start3A_6 = arith.constant 0 : i32
    %dma_start3A_7 = arith.constant 0 : i32
    %dma_start3A_8 = tpu.memref_slice %arg8[%dma_start3A_3, %dma_start3A_4, %dma_start3A_6, %dma_start3A_7] : memref<4x2x50x64xf32, #tpu.memory_space<vmem>> -> memref<1x1x50x64xf32, #tpu.memory_space<vmem>>
    %dma_start3A_9 = tpu.memref_squeeze %dma_start3A_8 : memref<1x1x50x64xf32, #tpu.memory_space<vmem>> -> memref<50x64xf32, #tpu.memory_space<vmem>>
    %dma_start3A_10 = arith.constant 0 : i32
    %dma_start3A_11 = tpu.memref_slice %arg7[%dma_start3A, %dma_start3A_10] : memref<128x50xi32, #tpu.memory_space<vmem>> -> memref<1x50xi32, #tpu.memory_space<vmem>>
    %dma_start3A_12 = tpu.memref_squeeze %dma_start3A_11 : memref<1x50xi32, #tpu.memory_space<vmem>> -> memref<50xi32, #tpu.memory_space<vmem>>
    %dma_start3A_13 = arith.constant 0 : i32
    %dma_start3A_14 = arith.constant 0 : i32
    %dma_start3A_15 = tpu.memref_slice %arg3[%dma_start3A_13, %dma_start3A_14] : memref<100000x64xf32, #tpu.memory_space<hbm>> -> memref<100000x64xf32, #tpu.memory_space<hbm>>
    %dma_start3A_16 = tpu.memref_slice %arg10[%dma_start3A_5] : memref<4x!tpu.dma_semaphore, #tpu.memory_space<semaphore_mem>> -> memref<1x!tpu.dma_semaphore, #tpu.memory_space<semaphore_mem>>
    %dma_start3A_17 = tpu.memref_squeeze %dma_start3A_16 : memref<1x!tpu.dma_semaphore, #tpu.memory_space<semaphore_mem>> -> memref<!tpu.dma_semaphore, #tpu.memory_space<semaphore_mem>>
    tpu.enqueue_indirect_dma source(%dma_start3A_15 : memref<100000x64xf32, #tpu.memory_space<hbm>>) target(%dma_start3A_9 : memref<50x64xf32, #tpu.memory_space<vmem>>) offsets(%dma_start3A_12 : memref<50xi32, #tpu.memory_space<vmem>>) semaphore(%dma_start3A_17 : memref<!tpu.dma_semaphore, #tpu.memory_space<semaphore_mem>>)
    %dma_start3A_18 = arith.constant 0 : i32
    %dma_start3A_19 = arith.constant 0 : i32
    %dma_start3A_20 = arith.constant 0 : i32
    %dma_start3A_21 = arith.constant 0 : i32
    %dma_start3A_22 = arith.constant 0 : i32
    %dma_start3A_23 = arith.constant 0 : i32
    %dma_start3A_24 = tpu.memref_slice %arg9[%dma_start3A_19, %dma_start3A_20, %dma_start3A_22, %dma_start3A_23] : memref<4x2x50x64xf32, #tpu.memory_space<vmem>> -> memref<1x1x50x64xf32, #tpu.memory_space<vmem>>
    %dma_start3A_25 = tpu.memref_squeeze %dma_start3A_24 : memref<1x1x50x64xf32, #tpu.memory_space<vmem>> -> memref<50x64xf32, #tpu.memory_space<vmem>>
    %dma_start3A_26 = arith.constant 0 : i32
    %dma_start3A_27 = tpu.memref_slice %arg7[%dma_start3A_18, %dma_start3A_26] : memref<128x50xi32, #tpu.memory_space<vmem>> -> memref<1x50xi32, #tpu.memory_space<vmem>>
    %dma_start3A_28 = tpu.memref_squeeze %dma_start3A_27 : memref<1x50xi32, #tpu.memory_space<vmem>> -> memref<50xi32, #tpu.memory_space<vmem>>
    %dma_start3A_29 = arith.constant 0 : i32
    %dma_start3A_30 = arith.constant 0 : i32
    %dma_start3A_31 = tpu.memref_slice %arg4[%dma_start3A_29, %dma_start3A_30] : memref<100000x64xf32, #tpu.memory_space<hbm>> -> memref<100000x64xf32, #tpu.memory_space<hbm>>
    %dma_start3A_32 = tpu.memref_slice %arg11[%dma_start3A_21] : memref<4x!tpu.dma_semaphore, #tpu.memory_space<semaphore_mem>> -> memref<1x!tpu.dma_semaphore, #tpu.memory_space<semaphore_mem>>
    %dma_start3A_33 = tpu.memref_squeeze %dma_start3A_32 : memref<1x!tpu.dma_semaphore, #tpu.memory_space<semaphore_mem>> -> memref<!tpu.dma_semaphore, #tpu.memory_space<semaphore_mem>>
    tpu.enqueue_indirect_dma source(%dma_start3A_31 : memref<100000x64xf32, #tpu.memory_space<hbm>>) target(%dma_start3A_25 : memref<50x64xf32, #tpu.memory_space<vmem>>) offsets(%dma_start3A_28 : memref<50xi32, #tpu.memory_space<vmem>>) semaphore(%dma_start3A_33 : memref<!tpu.dma_semaphore, #tpu.memory_space<semaphore_mem>>)
    %dma_start3A_34 = arith.constant 1 : i32
    %dma_start3A_35 = arith.constant 0 : i32
    %dma_start3A_36 = arith.constant 1 : i32
    %dma_start3A_37 = arith.constant 0 : i32
    %dma_start3A_38 = arith.constant 0 : i32
    %dma_start3A_39 = arith.constant 0 : i32
    %dma_start3A_40 = tpu.memref_slice %arg8[%dma_start3A_35, %dma_start3A_36, %dma_start3A_38, %dma_start3A_39] : memref<4x2x50x64xf32, #tpu.memory_space<vmem>> -> memref<1x1x50x64xf32, #tpu.memory_space<vmem>>
    %dma_start3A_41 = tpu.memref_squeeze %dma_start3A_40 : memref<1x1x50x64xf32, #tpu.memory_space<vmem>> -> memref<50x64xf32, #tpu.memory_space<vmem>>
    %dma_start3A_42 = arith.constant 0 : i32
    %dma_start3A_43 = tpu.memref_slice %arg7[%dma_start3A_34, %dma_start3A_42] : memref<128x50xi32, #tpu.memory_space<vmem>> -> memref<1x50xi32, #tpu.memory_space<vmem>>
    %dma_start3A_44 = tpu.memref_squeeze %dma_start3A_43 : memref<1x50xi32, #tpu.memory_space<vmem>> -> memref<50xi32, #tpu.memory_space<vmem>>
    %dma_start3A_45 = arith.constant 0 : i32
    %dma_start3A_46 = arith.constant 0 : i32
    %dma_start3A_47 = tpu.memref_slice %arg3[%dma_start3A_45, %dma_start3A_46] : memref<100000x64xf32, #tpu.memory_space<hbm>> -> memref<100000x64xf32, #tpu.memory_space<hbm>>
    %dma_start3A_48 = tpu.memref_slice %arg10[%dma_start3A_37] : memref<4x!tpu.dma_semaphore, #tpu.memory_space<semaphore_mem>> -> memref<1x!tpu.dma_semaphore, #tpu.memory_space<semaphore_mem>>
    %dma_start3A_49 = tpu.memref_squeeze %dma_start3A_48 : memref<1x!tpu.dma_semaphore, #tpu.memory_space<semaphore_mem>> -> memref<!tpu.dma_semaphore, #tpu.memory_space<semaphore_mem>>
    tpu.enqueue_indirect_dma source(%dma_start3A_47 : memref<100000x64xf32, #tpu.memory_space<hbm>>) target(%dma_start3A_41 : memref<50x64xf32, #tpu.memory_space<vmem>>) offsets(%dma_start3A_44 : memref<50xi32, #tpu.memory_space<vmem>>) semaphore(%dma_start3A_49 : memref<!tpu.dma_semaphore, #tpu.memory_space<semaphore_mem>>)
    %dma_start3A_50 = arith.constant 1 : i32
    %dma_start3A_51 = arith.constant 0 : i32
    %dma_start3A_52 = arith.constant 1 : i32
    %dma_start3A_53 = arith.constant 0 : i32
    %dma_start3A_54 = arith.constant 0 : i32
    %dma_start3A_55 = arith.constant 0 : i32
    %dma_start3A_56 = tpu.memref_slice %arg9[%dma_start3A_51, %dma_start3A_52, %dma_start3A_54, %dma_start3A_55] : memref<4x2x50x64xf32, #tpu.memory_space<vmem>> -> memref<1x1x50x64xf32, #tpu.memory_space<vmem>>
    %dma_start3A_57 = tpu.memref_squeeze %dma_start3A_56 : memref<1x1x50x64xf32, #tpu.memory_space<vmem>> -> memref<50x64xf32, #tpu.memory_space<vmem>>
    %dma_start3A_58 = arith.constant 0 : i32
    %dma_start3A_59 = tpu.memref_slice %arg7[%dma_start3A_50, %dma_start3A_58] : memref<128x50xi32, #tpu.memory_space<vmem>> -> memref<1x50xi32, #tpu.memory_space<vmem>>
    %dma_start3A_60 = tpu.memref_squeeze %dma_start3A_59 : memref<1x50xi32, #tpu.memory_space<vmem>> -> memref<50xi32, #tpu.memory_space<vmem>>
    %dma_start3A_61 = arith.constant 0 : i32
    %dma_start3A_62 = arith.constant 0 : i32
    %dma_start3A_63 = tpu.memref_slice %arg4[%dma_start3A_61, %dma_start3A_62] : memref<100000x64xf32, #tpu.memory_space<hbm>> -> memref<100000x64xf32, #tpu.memory_space<hbm>>
    %dma_start3A_64 = tpu.memref_slice %arg11[%dma_start3A_53] : memref<4x!tpu.dma_semaphore, #tpu.memory_space<semaphore_mem>> -> memref<1x!tpu.dma_semaphore, #tpu.memory_space<semaphore_mem>>
    %dma_start3A_65 = tpu.memref_squeeze %dma_start3A_64 : memref<1x!tpu.dma_semaphore, #tpu.memory_space<semaphore_mem>> -> memref<!tpu.dma_semaphore, #tpu.memory_space<semaphore_mem>>
    tpu.enqueue_indirect_dma source(%dma_start3A_63 : memref<100000x64xf32, #tpu.memory_space<hbm>>) target(%dma_start3A_57 : memref<50x64xf32, #tpu.memory_space<vmem>>) offsets(%dma_start3A_60 : memref<50xi32, #tpu.memory_space<vmem>>) semaphore(%dma_start3A_65 : memref<!tpu.dma_semaphore, #tpu.memory_space<semaphore_mem>>)
    %dma_start3A_66 = arith.constant 2 : i32
    %dma_start3A_67 = arith.constant 1 : i32
    %dma_start3A_68 = arith.constant 0 : i32
    %dma_start3A_69 = arith.constant 1 : i32
    %dma_start3A_70 = arith.constant 0 : i32
    %dma_start3A_71 = arith.constant 0 : i32
    %dma_start3A_72 = tpu.memref_slice %arg8[%dma_start3A_67, %dma_start3A_68, %dma_start3A_70, %dma_start3A_71] : memref<4x2x50x64xf32, #tpu.memory_space<vmem>> -> memref<1x1x50x64xf32, #tpu.memory_space<vmem>>
    %dma_start3A_73 = tpu.memref_squeeze %dma_start3A_72 : memref<1x1x50x64xf32, #tpu.memory_space<vmem>> -> memref<50x64xf32, #tpu.memory_space<vmem>>
    %dma_start3A_74 = arith.constant 0 : i32
    %dma_start3A_75 = tpu.memref_slice %arg7[%dma_start3A_66, %dma_start3A_74] : memref<128x50xi32, #tpu.memory_space<vmem>> -> memref<1x50xi32, #tpu.memory_space<vmem>>
    %dma_start3A_76 = tpu.memref_squeeze %dma_start3A_75 : memref<1x50xi32, #tpu.memory_space<vmem>> -> memref<50xi32, #tpu.memory_space<vmem>>
    %dma_start3A_77 = arith.constant 0 : i32
    %dma_start3A_78 = arith.constant 0 : i32
    %dma_start3A_79 = tpu.memref_slice %arg3[%dma_start3A_77, %dma_start3A_78] : memref<100000x64xf32, #tpu.memory_space<hbm>> -> memref<100000x64xf32, #tpu.memory_space<hbm>>
    %dma_start3A_80 = tpu.memref_slice %arg10[%dma_start3A_69] : memref<4x!tpu.dma_semaphore, #tpu.memory_space<semaphore_mem>> -> memref<1x!tpu.dma_semaphore, #tpu.memory_space<semaphore_mem>>
    %dma_start3A_81 = tpu.memref_squeeze %dma_start3A_80 : memref<1x!tpu.dma_semaphore, #tpu.memory_space<semaphore_mem>> -> memref<!tpu.dma_semaphore, #tpu.memory_space<semaphore_mem>>
    tpu.enqueue_indirect_dma source(%dma_start3A_79 : memref<100000x64xf32, #tpu.memory_space<hbm>>) target(%dma_start3A_73 : memref<50x64xf32, #tpu.memory_space<vmem>>) offsets(%dma_start3A_76 : memref<50xi32, #tpu.memory_space<vmem>>) semaphore(%dma_start3A_81 : memref<!tpu.dma_semaphore, #tpu.memory_space<semaphore_mem>>)
    %dma_start3A_82 = arith.constant 2 : i32
    %dma_start3A_83 = arith.constant 1 : i32
    %dma_start3A_84 = arith.constant 0 : i32
    %dma_start3A_85 = arith.constant 1 : i32
    %dma_start3A_86 = arith.constant 0 : i32
    %dma_start3A_87 = arith.constant 0 : i32
    %dma_start3A_88 = tpu.memref_slice %arg9[%dma_start3A_83, %dma_start3A_84, %dma_start3A_86, %dma_start3A_87] : memref<4x2x50x64xf32, #tpu.memory_space<vmem>> -> memref<1x1x50x64xf32, #tpu.memory_space<vmem>>
    %dma_start3A_89 = tpu.memref_squeeze %dma_start3A_88 : memref<1x1x50x64xf32, #tpu.memory_space<vmem>> -> memref<50x64xf32, #tpu.memory_space<vmem>>
    %dma_start3A_90 = arith.constant 0 : i32
    %dma_start3A_91 = tpu.memref_slice %arg7[%dma_start3A_82, %dma_start3A_90] : memref<128x50xi32, #tpu.memory_space<vmem>> -> memref<1x50xi32, #tpu.memory_space<vmem>>
    %dma_start3A_92 = tpu.memref_squeeze %dma_start3A_91 : memref<1x50xi32, #tpu.memory_space<vmem>> -> memref<50xi32, #tpu.memory_space<vmem>>
    %dma_start3A_93 = arith.constant 0 : i32
    %dma_start3A_94 = arith.constant 0 : i32
    %dma_start3A_95 = tpu.memref_slice %arg4[%dma_start3A_93, %dma_start3A_94] : memref<100000x64xf32, #tpu.memory_space<hbm>> -> memref<100000x64xf32, #tpu.memory_space<hbm>>
    %dma_start3A_96 = tpu.memref_slice %arg11[%dma_start3A_85] : memref<4x!tpu.dma_semaphore, #tpu.memory_space<semaphore_mem>> -> memref<1x!tpu.dma_semaphore, #tpu.memory_space<semaphore_mem>>
    %dma_start3A_97 = tpu.memref_squeeze %dma_start3A_96 : memref<1x!tpu.dma_semaphore, #tpu.memory_space<semaphore_mem>> -> memref<!tpu.dma_semaphore, #tpu.memory_space<semaphore_mem>>
    tpu.enqueue_indirect_dma source(%dma_start3A_95 : memref<100000x64xf32, #tpu.memory_space<hbm>>) target(%dma_start3A_89 : memref<50x64xf32, #tpu.memory_space<vmem>>) offsets(%dma_start3A_92 : memref<50xi32, #tpu.memory_space<vmem>>) semaphore(%dma_start3A_97 : memref<!tpu.dma_semaphore, #tpu.memory_space<semaphore_mem>>)
    %dma_start3A_98 = arith.constant 3 : i32
    %dma_start3A_99 = arith.constant 1 : i32
    %dma_start3A_100 = arith.constant 1 : i32
    %dma_start3A_101 = arith.constant 1 : i32
    %dma_start3A_102 = arith.constant 0 : i32
    %dma_start3A_103 = arith.constant 0 : i32
    %dma_start3A_104 = tpu.memref_slice %arg8[%dma_start3A_99, %dma_start3A_100, %dma_start3A_102, %dma_start3A_103] : memref<4x2x50x64xf32, #tpu.memory_space<vmem>> -> memref<1x1x50x64xf32, #tpu.memory_space<vmem>>
    %dma_start3A_105 = tpu.memref_squeeze %dma_start3A_104 : memref<1x1x50x64xf32, #tpu.memory_space<vmem>> -> memref<50x64xf32, #tpu.memory_space<vmem>>
    %dma_start3A_106 = arith.constant 0 : i32
    %dma_start3A_107 = tpu.memref_slice %arg7[%dma_start3A_98, %dma_start3A_106] : memref<128x50xi32, #tpu.memory_space<vmem>> -> memref<1x50xi32, #tpu.memory_space<vmem>>
    %dma_start3A_108 = tpu.memref_squeeze %dma_start3A_107 : memref<1x50xi32, #tpu.memory_space<vmem>> -> memref<50xi32, #tpu.memory_space<vmem>>
    %dma_start3A_109 = arith.constant 0 : i32
    %dma_start3A_110 = arith.constant 0 : i32
    %dma_start3A_111 = tpu.memref_slice %arg3[%dma_start3A_109, %dma_start3A_110] : memref<100000x64xf32, #tpu.memory_space<hbm>> -> memref<100000x64xf32, #tpu.memory_space<hbm>>
    %dma_start3A_112 = tpu.memref_slice %arg10[%dma_start3A_101] : memref<4x!tpu.dma_semaphore, #tpu.memory_space<semaphore_mem>> -> memref<1x!tpu.dma_semaphore, #tpu.memory_space<semaphore_mem>>
    %dma_start3A_113 = tpu.memref_squeeze %dma_start3A_112 : memref<1x!tpu.dma_semaphore, #tpu.memory_space<semaphore_mem>> -> memref<!tpu.dma_semaphore, #tpu.memory_space<semaphore_mem>>
    tpu.enqueue_indirect_dma source(%dma_start3A_111 : memref<100000x64xf32, #tpu.memory_space<hbm>>) target(%dma_start3A_105 : memref<50x64xf32, #tpu.memory_space<vmem>>) offsets(%dma_start3A_108 : memref<50xi32, #tpu.memory_space<vmem>>) semaphore(%dma_start3A_113 : memref<!tpu.dma_semaphore, #tpu.memory_space<semaphore_mem>>)
    %dma_start3A_114 = arith.constant 3 : i32
    %dma_start3A_115 = arith.constant 1 : i32
    %dma_start3A_116 = arith.constant 1 : i32
    %dma_start3A_117 = arith.constant 1 : i32
    %dma_start3A_118 = arith.constant 0 : i32
    %dma_start3A_119 = arith.constant 0 : i32
    %dma_start3A_120 = tpu.memref_slice %arg9[%dma_start3A_115, %dma_start3A_116, %dma_start3A_118, %dma_start3A_119] : memref<4x2x50x64xf32, #tpu.memory_space<vmem>> -> memref<1x1x50x64xf32, #tpu.memory_space<vmem>>
    %dma_start3A_121 = tpu.memref_squeeze %dma_start3A_120 : memref<1x1x50x64xf32, #tpu.memory_space<vmem>> -> memref<50x64xf32, #tpu.memory_space<vmem>>
    %dma_start3A_122 = arith.constant 0 : i32
    %dma_start3A_123 = tpu.memref_slice %arg7[%dma_start3A_114, %dma_start3A_122] : memref<128x50xi32, #tpu.memory_space<vmem>> -> memref<1x50xi32, #tpu.memory_space<vmem>>
    %dma_start3A_124 = tpu.memref_squeeze %dma_start3A_123 : memref<1x50xi32, #tpu.memory_space<vmem>> -> memref<50xi32, #tpu.memory_space<vmem>>
    %dma_start3A_125 = arith.constant 0 : i32
    %dma_start3A_126 = arith.constant 0 : i32
    %dma_start3A_127 = tpu.memref_slice %arg4[%dma_start3A_125, %dma_start3A_126] : memref<100000x64xf32, #tpu.memory_space<hbm>> -> memref<100000x64xf32, #tpu.memory_space<hbm>>
    %dma_start3A_128 = tpu.memref_slice %arg11[%dma_start3A_117] : memref<4x!tpu.dma_semaphore, #tpu.memory_space<semaphore_mem>> -> memref<1x!tpu.dma_semaphore, #tpu.memory_space<semaphore_mem>>
    %dma_start3A_129 = tpu.memref_squeeze %dma_start3A_128 : memref<1x!tpu.dma_semaphore, #tpu.memory_space<semaphore_mem>> -> memref<!tpu.dma_semaphore, #tpu.memory_space<semaphore_mem>>
    tpu.enqueue_indirect_dma source(%dma_start3A_127 : memref<100000x64xf32, #tpu.memory_space<hbm>>) target(%dma_start3A_121 : memref<50x64xf32, #tpu.memory_space<vmem>>) offsets(%dma_start3A_124 : memref<50xi32, #tpu.memory_space<vmem>>) semaphore(%dma_start3A_129 : memref<!tpu.dma_semaphore, #tpu.memory_space<semaphore_mem>>)
    %scan3A = arith.constant 0 : i32
    %scan3A_130 = arith.constant 0 : i32
    %scan3A_131 = arith.constant 16 : i32
    %scan3A_132 = arith.addi %scan3A_130, %scan3A_131 : i32
    %scan3A_133 = arith.constant 1 : i32
    scf.for %scan3A_218 = %scan3A_130 to %scan3A_132 step %scan3A_133  : i32 {
      %mul3A_219 = arith.constant 4 : i32
      %mul3A_220 = arith.muli %scan3A_218, %mul3A_219 : i32
      %add3A_221 = arith.constant 0 : i32
      %add3A_222 = arith.addi %mul3A_220, %add3A_221 : i32
      %mul3A_223 = arith.constant 2 : i32
      %mul3A_224 = arith.muli %mul3A_223, %add3A_222 : i32
      %add3A_225 = arith.constant 0 : i32
      %add3A_226 = arith.addi %mul3A_224, %add3A_225 : i32
      %mul3A_227 = arith.constant 2 : i32
      %mul3A_228 = arith.muli %mul3A_227, %add3A_222 : i32
      %add3A_229 = arith.constant 1 : i32
      %add3A_230 = arith.addi %mul3A_228, %add3A_229 : i32
      %dma_wait3A_231 = arith.constant 0 : i32
      %dma_wait3A_232 = arith.constant 0 : i32
      %dma_wait3A_233 = arith.constant 0 : i32
      %dma_wait3A_234 = arith.constant 0 : i32
      %dma_wait3A_235 = arith.constant 0 : i32
      %dma_wait3A_236 = tpu.memref_slice %arg8[%dma_wait3A_231, %dma_wait3A_232, %dma_wait3A_234, %dma_wait3A_235] : memref<4x2x50x64xf32, #tpu.memory_space<vmem>> -> memref<1x1x50x64xf32, #tpu.memory_space<vmem>>
      %dma_wait3A_237 = tpu.memref_squeeze %dma_wait3A_236 : memref<1x1x50x64xf32, #tpu.memory_space<vmem>> -> memref<50x64xf32, #tpu.memory_space<vmem>>
      %dma_wait3A_238 = arith.constant 0 : i32
      %dma_wait3A_239 = tpu.memref_slice %arg7[%add3A_226, %dma_wait3A_238] : memref<128x50xi32, #tpu.memory_space<vmem>> -> memref<1x50xi32, #tpu.memory_space<vmem>>
      %dma_wait3A_240 = tpu.memref_squeeze %dma_wait3A_239 : memref<1x50xi32, #tpu.memory_space<vmem>> -> memref<50xi32, #tpu.memory_space<vmem>>
      %dma_wait3A_241 = arith.constant 0 : i32
      %dma_wait3A_242 = arith.constant 0 : i32
      %dma_wait3A_243 = tpu.memref_slice %arg3[%dma_wait3A_241, %dma_wait3A_242] : memref<100000x64xf32, #tpu.memory_space<hbm>> -> memref<100000x64xf32, #tpu.memory_space<hbm>>
      %dma_wait3A_244 = tpu.memref_slice %arg10[%dma_wait3A_233] : memref<4x!tpu.dma_semaphore, #tpu.memory_space<semaphore_mem>> -> memref<1x!tpu.dma_semaphore, #tpu.memory_space<semaphore_mem>>
      %dma_wait3A_245 = tpu.memref_squeeze %dma_wait3A_244 : memref<1x!tpu.dma_semaphore, #tpu.memory_space<semaphore_mem>> -> memref<!tpu.dma_semaphore, #tpu.memory_space<semaphore_mem>>
      tpu.wait_indirect_dma semaphore(%dma_wait3A_245 : memref<!tpu.dma_semaphore, #tpu.memory_space<semaphore_mem>>) src(%dma_wait3A_243 : memref<100000x64xf32, #tpu.memory_space<hbm>>) dst(%dma_wait3A_237 : memref<50x64xf32, #tpu.memory_space<vmem>>)
      %dma_wait3A_246 = arith.constant 0 : i32
      %dma_wait3A_247 = arith.constant 0 : i32
      %dma_wait3A_248 = arith.constant 0 : i32
      %dma_wait3A_249 = arith.constant 0 : i32
      %dma_wait3A_250 = arith.constant 0 : i32
      %dma_wait3A_251 = tpu.memref_slice %arg9[%dma_wait3A_246, %dma_wait3A_247, %dma_wait3A_249, %dma_wait3A_250] : memref<4x2x50x64xf32, #tpu.memory_space<vmem>> -> memref<1x1x50x64xf32, #tpu.memory_space<vmem>>
      %dma_wait3A_252 = tpu.memref_squeeze %dma_wait3A_251 : memref<1x1x50x64xf32, #tpu.memory_space<vmem>> -> memref<50x64xf32, #tpu.memory_space<vmem>>
      %dma_wait3A_253 = arith.constant 0 : i32
      %dma_wait3A_254 = tpu.memref_slice %arg7[%add3A_226, %dma_wait3A_253] : memref<128x50xi32, #tpu.memory_space<vmem>> -> memref<1x50xi32, #tpu.memory_space<vmem>>
      %dma_wait3A_255 = tpu.memref_squeeze %dma_wait3A_254 : memref<1x50xi32, #tpu.memory_space<vmem>> -> memref<50xi32, #tpu.memory_space<vmem>>
      %dma_wait3A_256 = arith.constant 0 : i32
      %dma_wait3A_257 = arith.constant 0 : i32
      %dma_wait3A_258 = tpu.memref_slice %arg4[%dma_wait3A_256, %dma_wait3A_257] : memref<100000x64xf32, #tpu.memory_space<hbm>> -> memref<100000x64xf32, #tpu.memory_space<hbm>>
      %dma_wait3A_259 = tpu.memref_slice %arg11[%dma_wait3A_248] : memref<4x!tpu.dma_semaphore, #tpu.memory_space<semaphore_mem>> -> memref<1x!tpu.dma_semaphore, #tpu.memory_space<semaphore_mem>>
      %dma_wait3A_260 = tpu.memref_squeeze %dma_wait3A_259 : memref<1x!tpu.dma_semaphore, #tpu.memory_space<semaphore_mem>> -> memref<!tpu.dma_semaphore, #tpu.memory_space<semaphore_mem>>
      tpu.wait_indirect_dma semaphore(%dma_wait3A_260 : memref<!tpu.dma_semaphore, #tpu.memory_space<semaphore_mem>>) src(%dma_wait3A_258 : memref<100000x64xf32, #tpu.memory_space<hbm>>) dst(%dma_wait3A_252 : memref<50x64xf32, #tpu.memory_space<vmem>>)
      %dma_wait3A_261 = arith.constant 0 : i32
      %dma_wait3A_262 = arith.constant 1 : i32
      %dma_wait3A_263 = arith.constant 0 : i32
      %dma_wait3A_264 = arith.constant 0 : i32
      %dma_wait3A_265 = arith.constant 0 : i32
      %dma_wait3A_266 = tpu.memref_slice %arg8[%dma_wait3A_261, %dma_wait3A_262, %dma_wait3A_264, %dma_wait3A_265] : memref<4x2x50x64xf32, #tpu.memory_space<vmem>> -> memref<1x1x50x64xf32, #tpu.memory_space<vmem>>
      %dma_wait3A_267 = tpu.memref_squeeze %dma_wait3A_266 : memref<1x1x50x64xf32, #tpu.memory_space<vmem>> -> memref<50x64xf32, #tpu.memory_space<vmem>>
      %dma_wait3A_268 = arith.constant 0 : i32
      %dma_wait3A_269 = tpu.memref_slice %arg7[%add3A_230, %dma_wait3A_268] : memref<128x50xi32, #tpu.memory_space<vmem>> -> memref<1x50xi32, #tpu.memory_space<vmem>>
      %dma_wait3A_270 = tpu.memref_squeeze %dma_wait3A_269 : memref<1x50xi32, #tpu.memory_space<vmem>> -> memref<50xi32, #tpu.memory_space<vmem>>
      %dma_wait3A_271 = arith.constant 0 : i32
      %dma_wait3A_272 = arith.constant 0 : i32
      %dma_wait3A_273 = tpu.memref_slice %arg3[%dma_wait3A_271, %dma_wait3A_272] : memref<100000x64xf32, #tpu.memory_space<hbm>> -> memref<100000x64xf32, #tpu.memory_space<hbm>>
      %dma_wait3A_274 = tpu.memref_slice %arg10[%dma_wait3A_263] : memref<4x!tpu.dma_semaphore, #tpu.memory_space<semaphore_mem>> -> memref<1x!tpu.dma_semaphore, #tpu.memory_space<semaphore_mem>>
      %dma_wait3A_275 = tpu.memref_squeeze %dma_wait3A_274 : memref<1x!tpu.dma_semaphore, #tpu.memory_space<semaphore_mem>> -> memref<!tpu.dma_semaphore, #tpu.memory_space<semaphore_mem>>
      tpu.wait_indirect_dma semaphore(%dma_wait3A_275 : memref<!tpu.dma_semaphore, #tpu.memory_space<semaphore_mem>>) src(%dma_wait3A_273 : memref<100000x64xf32, #tpu.memory_space<hbm>>) dst(%dma_wait3A_267 : memref<50x64xf32, #tpu.memory_space<vmem>>)
      %dma_wait3A_276 = arith.constant 0 : i32
      %dma_wait3A_277 = arith.constant 1 : i32
      %dma_wait3A_278 = arith.constant 0 : i32
      %dma_wait3A_279 = arith.constant 0 : i32
      %dma_wait3A_280 = arith.constant 0 : i32
      %dma_wait3A_281 = tpu.memref_slice %arg9[%dma_wait3A_276, %dma_wait3A_277, %dma_wait3A_279, %dma_wait3A_280] : memref<4x2x50x64xf32, #tpu.memory_space<vmem>> -> memref<1x1x50x64xf32, #tpu.memory_space<vmem>>
      %dma_wait3A_282 = tpu.memref_squeeze %dma_wait3A_281 : memref<1x1x50x64xf32, #tpu.memory_space<vmem>> -> memref<50x64xf32, #tpu.memory_space<vmem>>
      %dma_wait3A_283 = arith.constant 0 : i32
      %dma_wait3A_284 = tpu.memref_slice %arg7[%add3A_230, %dma_wait3A_283] : memref<128x50xi32, #tpu.memory_space<vmem>> -> memref<1x50xi32, #tpu.memory_space<vmem>>
      %dma_wait3A_285 = tpu.memref_squeeze %dma_wait3A_284 : memref<1x50xi32, #tpu.memory_space<vmem>> -> memref<50xi32, #tpu.memory_space<vmem>>
      %dma_wait3A_286 = arith.constant 0 : i32
      %dma_wait3A_287 = arith.constant 0 : i32
      %dma_wait3A_288 = tpu.memref_slice %arg4[%dma_wait3A_286, %dma_wait3A_287] : memref<100000x64xf32, #tpu.memory_space<hbm>> -> memref<100000x64xf32, #tpu.memory_space<hbm>>
      %dma_wait3A_289 = tpu.memref_slice %arg11[%dma_wait3A_278] : memref<4x!tpu.dma_semaphore, #tpu.memory_space<semaphore_mem>> -> memref<1x!tpu.dma_semaphore, #tpu.memory_space<semaphore_mem>>
      %dma_wait3A_290 = tpu.memref_squeeze %dma_wait3A_289 : memref<1x!tpu.dma_semaphore, #tpu.memory_space<semaphore_mem>> -> memref<!tpu.dma_semaphore, #tpu.memory_space<semaphore_mem>>
      tpu.wait_indirect_dma semaphore(%dma_wait3A_290 : memref<!tpu.dma_semaphore, #tpu.memory_space<semaphore_mem>>) src(%dma_wait3A_288 : memref<100000x64xf32, #tpu.memory_space<hbm>>) dst(%dma_wait3A_282 : memref<50x64xf32, #tpu.memory_space<vmem>>)
      %mul3A_291 = arith.constant 2 : i32
      %mul3A_292 = arith.muli %mul3A_291, %add3A_222 : i32
      %add3A_293 = arith.addi %mul3A_2, %mul3A_292 : i32
      %dma_start3A_294 = arith.constant 0 : i32
      %dma_start3A_295 = arith.constant 0 : i32
      %dma_start3A_296 = arith.constant 0 : i32
      %dma_start3A_297 = arith.constant 0 : i32
      %dma_start3A_298 = arith.constant 0 : i32
      %dma_start3A_299 = tpu.memref_slice %arg8[%dma_start3A_294, %dma_start3A_296, %dma_start3A_297, %dma_start3A_298] : memref<4x2x50x64xf32, #tpu.memory_space<vmem>> -> memref<1x2x50x64xf32, #tpu.memory_space<vmem>>
      %dma_start3A_300 = tpu.memref_squeeze %dma_start3A_299 : memref<1x2x50x64xf32, #tpu.memory_space<vmem>> -> memref<2x50x64xf32, #tpu.memory_space<vmem>>
      %dma_start3A_301 = arith.constant 0 : i32
      %dma_start3A_302 = arith.constant 0 : i32
      %dma_start3A_303 = tpu.memref_slice %arg5[%add3A_293, %dma_start3A_301, %dma_start3A_302] : memref<4096x50x64xf32, #tpu.memory_space<hbm>> -> memref<2x50x64xf32, #tpu.memory_space<hbm>>
      %dma_start3A_304 = tpu.memref_slice %arg12[%dma_start3A_295] : memref<4x!tpu.dma_semaphore, #tpu.memory_space<semaphore_mem>> -> memref<1x!tpu.dma_semaphore, #tpu.memory_space<semaphore_mem>>
      %dma_start3A_305 = tpu.memref_squeeze %dma_start3A_304 : memref<1x!tpu.dma_semaphore, #tpu.memory_space<semaphore_mem>> -> memref<!tpu.dma_semaphore, #tpu.memory_space<semaphore_mem>>
      %dma_start3A_306 = arith.constant 0 : i32
      %dma_start3A_307 = arith.constant 0 : i32
      %dma_start3A_308 = tpu.memref_slice %arg5[%add3A_293, %dma_start3A_306, %dma_start3A_307] : memref<4096x50x64xf32, #tpu.memory_space<hbm>> -> memref<2x50x64xf32, #tpu.memory_space<hbm>>
      %dma_start3A_309 = arith.constant 0 : i32
      %dma_start3A_310 = arith.constant 0 : i32
      %dma_start3A_311 = arith.constant 0 : i32
      %dma_start3A_312 = tpu.memref_slice %arg8[%dma_start3A_294, %dma_start3A_309, %dma_start3A_310, %dma_start3A_311] : memref<4x2x50x64xf32, #tpu.memory_space<vmem>> -> memref<1x2x50x64xf32, #tpu.memory_space<vmem>>
      %dma_start3A_313 = tpu.memref_squeeze %dma_start3A_312 : memref<1x2x50x64xf32, #tpu.memory_space<vmem>> -> memref<2x50x64xf32, #tpu.memory_space<vmem>>
      tpu.enqueue_dma source(%dma_start3A_313 : memref<2x50x64xf32, #tpu.memory_space<vmem>>) target(%dma_start3A_308 : memref<2x50x64xf32, #tpu.memory_space<hbm>>) target_semaphore(%dma_start3A_305 : memref<!tpu.dma_semaphore, #tpu.memory_space<semaphore_mem>>)
      %dma_start3A_314 = arith.constant 0 : i32
      %dma_start3A_315 = arith.constant 0 : i32
      %dma_start3A_316 = arith.constant 0 : i32
      %dma_start3A_317 = arith.constant 0 : i32
      %dma_start3A_318 = arith.constant 0 : i32
      %dma_start3A_319 = tpu.memref_slice %arg9[%dma_start3A_314, %dma_start3A_316, %dma_start3A_317, %dma_start3A_318] : memref<4x2x50x64xf32, #tpu.memory_space<vmem>> -> memref<1x2x50x64xf32, #tpu.memory_space<vmem>>
      %dma_start3A_320 = tpu.memref_squeeze %dma_start3A_319 : memref<1x2x50x64xf32, #tpu.memory_space<vmem>> -> memref<2x50x64xf32, #tpu.memory_space<vmem>>
      %dma_start3A_321 = arith.constant 0 : i32
      %dma_start3A_322 = arith.constant 0 : i32
      %dma_start3A_323 = tpu.memref_slice %arg6[%add3A_293, %dma_start3A_321, %dma_start3A_322] : memref<4096x50x64xf32, #tpu.memory_space<hbm>> -> memref<2x50x64xf32, #tpu.memory_space<hbm>>
      %dma_start3A_324 = tpu.memref_slice %arg13[%dma_start3A_315] : memref<4x!tpu.dma_semaphore, #tpu.memory_space<semaphore_mem>> -> memref<1x!tpu.dma_semaphore, #tpu.memory_space<semaphore_mem>>
      %dma_start3A_325 = tpu.memref_squeeze %dma_start3A_324 : memref<1x!tpu.dma_semaphore, #tpu.memory_space<semaphore_mem>> -> memref<!tpu.dma_semaphore, #tpu.memory_space<semaphore_mem>>
      %dma_start3A_326 = arith.constant 0 : i32
      %dma_start3A_327 = arith.constant 0 : i32
      %dma_start3A_328 = tpu.memref_slice %arg6[%add3A_293, %dma_start3A_326, %dma_start3A_327] : memref<4096x50x64xf32, #tpu.memory_space<hbm>> -> memref<2x50x64xf32, #tpu.memory_space<hbm>>
      %dma_start3A_329 = arith.constant 0 : i32
      %dma_start3A_330 = arith.constant 0 : i32
      %dma_start3A_331 = arith.constant 0 : i32
      %dma_start3A_332 = tpu.memref_slice %arg9[%dma_start3A_314, %dma_start3A_329, %dma_start3A_330, %dma_start3A_331] : memref<4x2x50x64xf32, #tpu.memory_space<vmem>> -> memref<1x2x50x64xf32, #tpu.memory_space<vmem>>
      %dma_start3A_333 = tpu.memref_squeeze %dma_start3A_332 : memref<1x2x50x64xf32, #tpu.memory_space<vmem>> -> memref<2x50x64xf32, #tpu.memory_space<vmem>>
      tpu.enqueue_dma source(%dma_start3A_333 : memref<2x50x64xf32, #tpu.memory_space<vmem>>) target(%dma_start3A_328 : memref<2x50x64xf32, #tpu.memory_space<hbm>>) target_semaphore(%dma_start3A_325 : memref<!tpu.dma_semaphore, #tpu.memory_space<semaphore_mem>>)
      %add3A_334 = arith.constant 2 : i32
      %add3A_335 = arith.addi %add3A_222, %add3A_334 : i32
      %ge3A = arith.constant 4 : i32
      %ge3A_336 = arith.cmpi sge, %add3A_335, %ge3A : i32
      %convert_element_type3A = arith.extui %ge3A_336 : i1 to i32
      %cond3A = arith.constant 0 : i32
      %cond3A_337 = arith.cmpi ne, %convert_element_type3A, %cond3A : i32
      scf.if %cond3A_337 {
        %sub3A = arith.constant 4 : i32
        %sub3A_723 = arith.subi %add3A_335, %sub3A : i32
        %mul3A_724 = arith.constant 2 : i32
        %mul3A_725 = arith.muli %mul3A_724, %sub3A_723 : i32
        %add3A_726 = arith.addi %mul3A_2, %mul3A_725 : i32
        %dma_wait3A_727 = arith.constant 2 : i32
        %dma_wait3A_728 = arith.constant 2 : i32
        %dma_wait3A_729 = arith.constant 0 : i32
        %dma_wait3A_730 = arith.constant 0 : i32
        %dma_wait3A_731 = arith.constant 0 : i32
        %dma_wait3A_732 = tpu.memref_slice %arg8[%dma_wait3A_727, %dma_wait3A_729, %dma_wait3A_730, %dma_wait3A_731] : memref<4x2x50x64xf32, #tpu.memory_space<vmem>> -> memref<1x2x50x64xf32, #tpu.memory_space<vmem>>
        %dma_wait3A_733 = tpu.memref_squeeze %dma_wait3A_732 : memref<1x2x50x64xf32, #tpu.memory_space<vmem>> -> memref<2x50x64xf32, #tpu.memory_space<vmem>>
        %dma_wait3A_734 = arith.constant 0 : i32
        %dma_wait3A_735 = arith.constant 0 : i32
        %dma_wait3A_736 = tpu.memref_slice %arg5[%add3A_726, %dma_wait3A_734, %dma_wait3A_735] : memref<4096x50x64xf32, #tpu.memory_space<hbm>> -> memref<2x50x64xf32, #tpu.memory_space<hbm>>
        %dma_wait3A_737 = tpu.memref_slice %arg12[%dma_wait3A_728] : memref<4x!tpu.dma_semaphore, #tpu.memory_space<semaphore_mem>> -> memref<1x!tpu.dma_semaphore, #tpu.memory_space<semaphore_mem>>
        %dma_wait3A_738 = tpu.memref_squeeze %dma_wait3A_737 : memref<1x!tpu.dma_semaphore, #tpu.memory_space<semaphore_mem>> -> memref<!tpu.dma_semaphore, #tpu.memory_space<semaphore_mem>>
        %dma_wait3A_739 = arith.constant 0 : i32
        %dma_wait3A_740 = arith.constant 0 : i32
        %dma_wait3A_741 = tpu.memref_slice %arg5[%add3A_726, %dma_wait3A_739, %dma_wait3A_740] : memref<4096x50x64xf32, #tpu.memory_space<hbm>> -> memref<2x50x64xf32, #tpu.memory_space<hbm>>
        %dma_wait3A_742 = arith.constant 0 : i32
        %dma_wait3A_743 = arith.constant 0 : i32
        %dma_wait3A_744 = arith.constant 0 : i32
        %dma_wait3A_745 = tpu.memref_slice %arg8[%dma_wait3A_727, %dma_wait3A_742, %dma_wait3A_743, %dma_wait3A_744] : memref<4x2x50x64xf32, #tpu.memory_space<vmem>> -> memref<1x2x50x64xf32, #tpu.memory_space<vmem>>
        %dma_wait3A_746 = tpu.memref_squeeze %dma_wait3A_745 : memref<1x2x50x64xf32, #tpu.memory_space<vmem>> -> memref<2x50x64xf32, #tpu.memory_space<vmem>>
        tpu.wait_dma2 semaphore(%dma_wait3A_738 : memref<!tpu.dma_semaphore, #tpu.memory_space<semaphore_mem>>) src(%dma_wait3A_746 : memref<2x50x64xf32, #tpu.memory_space<vmem>>) dst(%dma_wait3A_741 : memref<2x50x64xf32, #tpu.memory_space<hbm>>)
        %dma_wait3A_747 = arith.constant 2 : i32
        %dma_wait3A_748 = arith.constant 2 : i32
        %dma_wait3A_749 = arith.constant 0 : i32
        %dma_wait3A_750 = arith.constant 0 : i32
        %dma_wait3A_751 = arith.constant 0 : i32
        %dma_wait3A_752 = tpu.memref_slice %arg9[%dma_wait3A_747, %dma_wait3A_749, %dma_wait3A_750, %dma_wait3A_751] : memref<4x2x50x64xf32, #tpu.memory_space<vmem>> -> memref<1x2x50x64xf32, #tpu.memory_space<vmem>>
        %dma_wait3A_753 = tpu.memref_squeeze %dma_wait3A_752 : memref<1x2x50x64xf32, #tpu.memory_space<vmem>> -> memref<2x50x64xf32, #tpu.memory_space<vmem>>
        %dma_wait3A_754 = arith.constant 0 : i32
        %dma_wait3A_755 = arith.constant 0 : i32
        %dma_wait3A_756 = tpu.memref_slice %arg6[%add3A_726, %dma_wait3A_754, %dma_wait3A_755] : memref<4096x50x64xf32, #tpu.memory_space<hbm>> -> memref<2x50x64xf32, #tpu.memory_space<hbm>>
        %dma_wait3A_757 = tpu.memref_slice %arg13[%dma_wait3A_748] : memref<4x!tpu.dma_semaphore, #tpu.memory_space<semaphore_mem>> -> memref<1x!tpu.dma_semaphore, #tpu.memory_space<semaphore_mem>>
        %dma_wait3A_758 = tpu.memref_squeeze %dma_wait3A_757 : memref<1x!tpu.dma_semaphore, #tpu.memory_space<semaphore_mem>> -> memref<!tpu.dma_semaphore, #tpu.memory_space<semaphore_mem>>
        %dma_wait3A_759 = arith.constant 0 : i32
        %dma_wait3A_760 = arith.constant 0 : i32
        %dma_wait3A_761 = tpu.memref_slice %arg6[%add3A_726, %dma_wait3A_759, %dma_wait3A_760] : memref<4096x50x64xf32, #tpu.memory_space<hbm>> -> memref<2x50x64xf32, #tpu.memory_space<hbm>>
        %dma_wait3A_762 = arith.constant 0 : i32
        %dma_wait3A_763 = arith.constant 0 : i32
        %dma_wait3A_764 = arith.constant 0 : i32
        %dma_wait3A_765 = tpu.memref_slice %arg9[%dma_wait3A_747, %dma_wait3A_762, %dma_wait3A_763, %dma_wait3A_764] : memref<4x2x50x64xf32, #tpu.memory_space<vmem>> -> memref<1x2x50x64xf32, #tpu.memory_space<vmem>>
        %dma_wait3A_766 = tpu.memref_squeeze %dma_wait3A_765 : memref<1x2x50x64xf32, #tpu.memory_space<vmem>> -> memref<2x50x64xf32, #tpu.memory_space<vmem>>
        tpu.wait_dma2 semaphore(%dma_wait3A_758 : memref<!tpu.dma_semaphore, #tpu.memory_space<semaphore_mem>>) src(%dma_wait3A_766 : memref<2x50x64xf32, #tpu.memory_space<vmem>>) dst(%dma_wait3A_761 : memref<2x50x64xf32, #tpu.memory_space<hbm>>)
      } else {
      }
      %lt3A = arith.constant 64 : i32
      %lt3A_338 = arith.cmpi slt, %add3A_335, %lt3A : i32
      %convert_element_type3A_339 = arith.extui %lt3A_338 : i1 to i32
      %cond3A_340 = arith.constant 0 : i32
      %cond3A_341 = arith.cmpi ne, %convert_element_type3A_339, %cond3A_340 : i32
      scf.if %cond3A_341 {
        %mul3A_723 = arith.constant 2 : i32
        %mul3A_724 = arith.muli %mul3A_723, %add3A_335 : i32
        %add3A_725 = arith.constant 0 : i32
        %add3A_726 = arith.addi %mul3A_724, %add3A_725 : i32
        %mul3A_727 = arith.constant 2 : i32
        %mul3A_728 = arith.muli %mul3A_727, %add3A_335 : i32
        %add3A_729 = arith.constant 1 : i32
        %add3A_730 = arith.addi %mul3A_728, %add3A_729 : i32
        %dma_start3A_731 = arith.constant 2 : i32
        %dma_start3A_732 = arith.constant 0 : i32
        %dma_start3A_733 = arith.constant 2 : i32
        %dma_start3A_734 = arith.constant 0 : i32
        %dma_start3A_735 = arith.constant 0 : i32
        %dma_start3A_736 = tpu.memref_slice %arg8[%dma_start3A_731, %dma_start3A_732, %dma_start3A_734, %dma_start3A_735] : memref<4x2x50x64xf32, #tpu.memory_space<vmem>> -> memref<1x1x50x64xf32, #tpu.memory_space<vmem>>
        %dma_start3A_737 = tpu.memref_squeeze %dma_start3A_736 : memref<1x1x50x64xf32, #tpu.memory_space<vmem>> -> memref<50x64xf32, #tpu.memory_space<vmem>>
        %dma_start3A_738 = arith.constant 0 : i32
        %dma_start3A_739 = tpu.memref_slice %arg7[%add3A_726, %dma_start3A_738] : memref<128x50xi32, #tpu.memory_space<vmem>> -> memref<1x50xi32, #tpu.memory_space<vmem>>
        %dma_start3A_740 = tpu.memref_squeeze %dma_start3A_739 : memref<1x50xi32, #tpu.memory_space<vmem>> -> memref<50xi32, #tpu.memory_space<vmem>>
        %dma_start3A_741 = arith.constant 0 : i32
        %dma_start3A_742 = arith.constant 0 : i32
        %dma_start3A_743 = tpu.memref_slice %arg3[%dma_start3A_741, %dma_start3A_742] : memref<100000x64xf32, #tpu.memory_space<hbm>> -> memref<100000x64xf32, #tpu.memory_space<hbm>>
        %dma_start3A_744 = tpu.memref_slice %arg10[%dma_start3A_733] : memref<4x!tpu.dma_semaphore, #tpu.memory_space<semaphore_mem>> -> memref<1x!tpu.dma_semaphore, #tpu.memory_space<semaphore_mem>>
        %dma_start3A_745 = tpu.memref_squeeze %dma_start3A_744 : memref<1x!tpu.dma_semaphore, #tpu.memory_space<semaphore_mem>> -> memref<!tpu.dma_semaphore, #tpu.memory_space<semaphore_mem>>
        tpu.enqueue_indirect_dma source(%dma_start3A_743 : memref<100000x64xf32, #tpu.memory_space<hbm>>) target(%dma_start3A_737 : memref<50x64xf32, #tpu.memory_space<vmem>>) offsets(%dma_start3A_740 : memref<50xi32, #tpu.memory_space<vmem>>) semaphore(%dma_start3A_745 : memref<!tpu.dma_semaphore, #tpu.memory_space<semaphore_mem>>)
        %dma_start3A_746 = arith.constant 2 : i32
        %dma_start3A_747 = arith.constant 0 : i32
        %dma_start3A_748 = arith.constant 2 : i32
        %dma_start3A_749 = arith.constant 0 : i32
        %dma_start3A_750 = arith.constant 0 : i32
        %dma_start3A_751 = tpu.memref_slice %arg9[%dma_start3A_746, %dma_start3A_747, %dma_start3A_749, %dma_start3A_750] : memref<4x2x50x64xf32, #tpu.memory_space<vmem>> -> memref<1x1x50x64xf32, #tpu.memory_space<vmem>>
        %dma_start3A_752 = tpu.memref_squeeze %dma_start3A_751 : memref<1x1x50x64xf32, #tpu.memory_space<vmem>> -> memref<50x64xf32, #tpu.memory_space<vmem>>
        %dma_start3A_753 = arith.constant 0 : i32
        %dma_start3A_754 = tpu.memref_slice %arg7[%add3A_726, %dma_start3A_753] : memref<128x50xi32, #tpu.memory_space<vmem>> -> memref<1x50xi32, #tpu.memory_space<vmem>>
        %dma_start3A_755 = tpu.memref_squeeze %dma_start3A_754 : memref<1x50xi32, #tpu.memory_space<vmem>> -> memref<50xi32, #tpu.memory_space<vmem>>
        %dma_start3A_756 = arith.constant 0 : i32
        %dma_start3A_757 = arith.constant 0 : i32
        %dma_start3A_758 = tpu.memref_slice %arg4[%dma_start3A_756, %dma_start3A_757] : memref<100000x64xf32, #tpu.memory_space<hbm>> -> memref<100000x64xf32, #tpu.memory_space<hbm>>
        %dma_start3A_759 = tpu.memref_slice %arg11[%dma_start3A_748] : memref<4x!tpu.dma_semaphore, #tpu.memory_space<semaphore_mem>> -> memref<1x!tpu.dma_semaphore, #tpu.memory_space<semaphore_mem>>
        %dma_start3A_760 = tpu.memref_squeeze %dma_start3A_759 : memref<1x!tpu.dma_semaphore, #tpu.memory_space<semaphore_mem>> -> memref<!tpu.dma_semaphore, #tpu.memory_space<semaphore_mem>>
        tpu.enqueue_indirect_dma source(%dma_start3A_758 : memref<100000x64xf32, #tpu.memory_space<hbm>>) target(%dma_start3A_752 : memref<50x64xf32, #tpu.memory_space<vmem>>) offsets(%dma_start3A_755 : memref<50xi32, #tpu.memory_space<vmem>>) semaphore(%dma_start3A_760 : memref<!tpu.dma_semaphore, #tpu.memory_space<semaphore_mem>>)
        %dma_start3A_761 = arith.constant 2 : i32
        %dma_start3A_762 = arith.constant 1 : i32
        %dma_start3A_763 = arith.constant 2 : i32
        %dma_start3A_764 = arith.constant 0 : i32
        %dma_start3A_765 = arith.constant 0 : i32
        %dma_start3A_766 = tpu.memref_slice %arg8[%dma_start3A_761, %dma_start3A_762, %dma_start3A_764, %dma_start3A_765] : memref<4x2x50x64xf32, #tpu.memory_space<vmem>> -> memref<1x1x50x64xf32, #tpu.memory_space<vmem>>
        %dma_start3A_767 = tpu.memref_squeeze %dma_start3A_766 : memref<1x1x50x64xf32, #tpu.memory_space<vmem>> -> memref<50x64xf32, #tpu.memory_space<vmem>>
        %dma_start3A_768 = arith.constant 0 : i32
        %dma_start3A_769 = tpu.memref_slice %arg7[%add3A_730, %dma_start3A_768] : memref<128x50xi32, #tpu.memory_space<vmem>> -> memref<1x50xi32, #tpu.memory_space<vmem>>
        %dma_start3A_770 = tpu.memref_squeeze %dma_start3A_769 : memref<1x50xi32, #tpu.memory_space<vmem>> -> memref<50xi32, #tpu.memory_space<vmem>>
        %dma_start3A_771 = arith.constant 0 : i32
        %dma_start3A_772 = arith.constant 0 : i32
        %dma_start3A_773 = tpu.memref_slice %arg3[%dma_start3A_771, %dma_start3A_772] : memref<100000x64xf32, #tpu.memory_space<hbm>> -> memref<100000x64xf32, #tpu.memory_space<hbm>>
        %dma_start3A_774 = tpu.memref_slice %arg10[%dma_start3A_763] : memref<4x!tpu.dma_semaphore, #tpu.memory_space<semaphore_mem>> -> memref<1x!tpu.dma_semaphore, #tpu.memory_space<semaphore_mem>>
        %dma_start3A_775 = tpu.memref_squeeze %dma_start3A_774 : memref<1x!tpu.dma_semaphore, #tpu.memory_space<semaphore_mem>> -> memref<!tpu.dma_semaphore, #tpu.memory_space<semaphore_mem>>
        tpu.enqueue_indirect_dma source(%dma_start3A_773 : memref<100000x64xf32, #tpu.memory_space<hbm>>) target(%dma_start3A_767 : memref<50x64xf32, #tpu.memory_space<vmem>>) offsets(%dma_start3A_770 : memref<50xi32, #tpu.memory_space<vmem>>) semaphore(%dma_start3A_775 : memref<!tpu.dma_semaphore, #tpu.memory_space<semaphore_mem>>)
        %dma_start3A_776 = arith.constant 2 : i32
        %dma_start3A_777 = arith.constant 1 : i32
        %dma_start3A_778 = arith.constant 2 : i32
        %dma_start3A_779 = arith.constant 0 : i32
        %dma_start3A_780 = arith.constant 0 : i32
        %dma_start3A_781 = tpu.memref_slice %arg9[%dma_start3A_776, %dma_start3A_777, %dma_start3A_779, %dma_start3A_780] : memref<4x2x50x64xf32, #tpu.memory_space<vmem>> -> memref<1x1x50x64xf32, #tpu.memory_space<vmem>>
        %dma_start3A_782 = tpu.memref_squeeze %dma_start3A_781 : memref<1x1x50x64xf32, #tpu.memory_space<vmem>> -> memref<50x64xf32, #tpu.memory_space<vmem>>
        %dma_start3A_783 = arith.constant 0 : i32
        %dma_start3A_784 = tpu.memref_slice %arg7[%add3A_730, %dma_start3A_783] : memref<128x50xi32, #tpu.memory_space<vmem>> -> memref<1x50xi32, #tpu.memory_space<vmem>>
        %dma_start3A_785 = tpu.memref_squeeze %dma_start3A_784 : memref<1x50xi32, #tpu.memory_space<vmem>> -> memref<50xi32, #tpu.memory_space<vmem>>
        %dma_start3A_786 = arith.constant 0 : i32
        %dma_start3A_787 = arith.constant 0 : i32
        %dma_start3A_788 = tpu.memref_slice %arg4[%dma_start3A_786, %dma_start3A_787] : memref<100000x64xf32, #tpu.memory_space<hbm>> -> memref<100000x64xf32, #tpu.memory_space<hbm>>
        %dma_start3A_789 = tpu.memref_slice %arg11[%dma_start3A_778] : memref<4x!tpu.dma_semaphore, #tpu.memory_space<semaphore_mem>> -> memref<1x!tpu.dma_semaphore, #tpu.memory_space<semaphore_mem>>
        %dma_start3A_790 = tpu.memref_squeeze %dma_start3A_789 : memref<1x!tpu.dma_semaphore, #tpu.memory_space<semaphore_mem>> -> memref<!tpu.dma_semaphore, #tpu.memory_space<semaphore_mem>>
        tpu.enqueue_indirect_dma source(%dma_start3A_788 : memref<100000x64xf32, #tpu.memory_space<hbm>>) target(%dma_start3A_782 : memref<50x64xf32, #tpu.memory_space<vmem>>) offsets(%dma_start3A_785 : memref<50xi32, #tpu.memory_space<vmem>>) semaphore(%dma_start3A_790 : memref<!tpu.dma_semaphore, #tpu.memory_space<semaphore_mem>>)
      } else {
      }
      %mul3A_342 = arith.constant 4 : i32
      %mul3A_343 = arith.muli %scan3A_218, %mul3A_342 : i32
      %add3A_344 = arith.constant 1 : i32
      %add3A_345 = arith.addi %mul3A_343, %add3A_344 : i32
      %mul3A_346 = arith.constant 2 : i32
      %mul3A_347 = arith.muli %mul3A_346, %add3A_345 : i32
      %add3A_348 = arith.constant 0 : i32
      %add3A_349 = arith.addi %mul3A_347, %add3A_348 : i32
      %mul3A_350 = arith.constant 2 : i32
      %mul3A_351 = arith.muli %mul3A_350, %add3A_345 : i32
      %add3A_352 = arith.constant 1 : i32
      %add3A_353 = arith.addi %mul3A_351, %add3A_352 : i32
      %dma_wait3A_354 = arith.constant 1 : i32
      %dma_wait3A_355 = arith.constant 0 : i32
      %dma_wait3A_356 = arith.constant 1 : i32
      %dma_wait3A_357 = arith.constant 0 : i32
      %dma_wait3A_358 = arith.constant 0 : i32
      %dma_wait3A_359 = tpu.memref_slice %arg8[%dma_wait3A_354, %dma_wait3A_355, %dma_wait3A_357, %dma_wait3A_358] : memref<4x2x50x64xf32, #tpu.memory_space<vmem>> -> memref<1x1x50x64xf32, #tpu.memory_space<vmem>>
      %dma_wait3A_360 = tpu.memref_squeeze %dma_wait3A_359 : memref<1x1x50x64xf32, #tpu.memory_space<vmem>> -> memref<50x64xf32, #tpu.memory_space<vmem>>
      %dma_wait3A_361 = arith.constant 0 : i32
      %dma_wait3A_362 = tpu.memref_slice %arg7[%add3A_349, %dma_wait3A_361] : memref<128x50xi32, #tpu.memory_space<vmem>> -> memref<1x50xi32, #tpu.memory_space<vmem>>
      %dma_wait3A_363 = tpu.memref_squeeze %dma_wait3A_362 : memref<1x50xi32, #tpu.memory_space<vmem>> -> memref<50xi32, #tpu.memory_space<vmem>>
      %dma_wait3A_364 = arith.constant 0 : i32
      %dma_wait3A_365 = arith.constant 0 : i32
      %dma_wait3A_366 = tpu.memref_slice %arg3[%dma_wait3A_364, %dma_wait3A_365] : memref<100000x64xf32, #tpu.memory_space<hbm>> -> memref<100000x64xf32, #tpu.memory_space<hbm>>
      %dma_wait3A_367 = tpu.memref_slice %arg10[%dma_wait3A_356] : memref<4x!tpu.dma_semaphore, #tpu.memory_space<semaphore_mem>> -> memref<1x!tpu.dma_semaphore, #tpu.memory_space<semaphore_mem>>
      %dma_wait3A_368 = tpu.memref_squeeze %dma_wait3A_367 : memref<1x!tpu.dma_semaphore, #tpu.memory_space<semaphore_mem>> -> memref<!tpu.dma_semaphore, #tpu.memory_space<semaphore_mem>>
      tpu.wait_indirect_dma semaphore(%dma_wait3A_368 : memref<!tpu.dma_semaphore, #tpu.memory_space<semaphore_mem>>) src(%dma_wait3A_366 : memref<100000x64xf32, #tpu.memory_space<hbm>>) dst(%dma_wait3A_360 : memref<50x64xf32, #tpu.memory_space<vmem>>)
      %dma_wait3A_369 = arith.constant 1 : i32
      %dma_wait3A_370 = arith.constant 0 : i32
      %dma_wait3A_371 = arith.constant 1 : i32
      %dma_wait3A_372 = arith.constant 0 : i32
      %dma_wait3A_373 = arith.constant 0 : i32
      %dma_wait3A_374 = tpu.memref_slice %arg9[%dma_wait3A_369, %dma_wait3A_370, %dma_wait3A_372, %dma_wait3A_373] : memref<4x2x50x64xf32, #tpu.memory_space<vmem>> -> memref<1x1x50x64xf32, #tpu.memory_space<vmem>>
      %dma_wait3A_375 = tpu.memref_squeeze %dma_wait3A_374 : memref<1x1x50x64xf32, #tpu.memory_space<vmem>> -> memref<50x64xf32, #tpu.memory_space<vmem>>
      %dma_wait3A_376 = arith.constant 0 : i32
      %dma_wait3A_377 = tpu.memref_slice %arg7[%add3A_349, %dma_wait3A_376] : memref<128x50xi32, #tpu.memory_space<vmem>> -> memref<1x50xi32, #tpu.memory_space<vmem>>
      %dma_wait3A_378 = tpu.memref_squeeze %dma_wait3A_377 : memref<1x50xi32, #tpu.memory_space<vmem>> -> memref<50xi32, #tpu.memory_space<vmem>>
      %dma_wait3A_379 = arith.constant 0 : i32
      %dma_wait3A_380 = arith.constant 0 : i32
      %dma_wait3A_381 = tpu.memref_slice %arg4[%dma_wait3A_379, %dma_wait3A_380] : memref<100000x64xf32, #tpu.memory_space<hbm>> -> memref<100000x64xf32, #tpu.memory_space<hbm>>
      %dma_wait3A_382 = tpu.memref_slice %arg11[%dma_wait3A_371] : memref<4x!tpu.dma_semaphore, #tpu.memory_space<semaphore_mem>> -> memref<1x!tpu.dma_semaphore, #tpu.memory_space<semaphore_mem>>
      %dma_wait3A_383 = tpu.memref_squeeze %dma_wait3A_382 : memref<1x!tpu.dma_semaphore, #tpu.memory_space<semaphore_mem>> -> memref<!tpu.dma_semaphore, #tpu.memory_space<semaphore_mem>>
      tpu.wait_indirect_dma semaphore(%dma_wait3A_383 : memref<!tpu.dma_semaphore, #tpu.memory_space<semaphore_mem>>) src(%dma_wait3A_381 : memref<100000x64xf32, #tpu.memory_space<hbm>>) dst(%dma_wait3A_375 : memref<50x64xf32, #tpu.memory_space<vmem>>)
      %dma_wait3A_384 = arith.constant 1 : i32
      %dma_wait3A_385 = arith.constant 1 : i32
      %dma_wait3A_386 = arith.constant 1 : i32
      %dma_wait3A_387 = arith.constant 0 : i32
      %dma_wait3A_388 = arith.constant 0 : i32
      %dma_wait3A_389 = tpu.memref_slice %arg8[%dma_wait3A_384, %dma_wait3A_385, %dma_wait3A_387, %dma_wait3A_388] : memref<4x2x50x64xf32, #tpu.memory_space<vmem>> -> memref<1x1x50x64xf32, #tpu.memory_space<vmem>>
      %dma_wait3A_390 = tpu.memref_squeeze %dma_wait3A_389 : memref<1x1x50x64xf32, #tpu.memory_space<vmem>> -> memref<50x64xf32, #tpu.memory_space<vmem>>
      %dma_wait3A_391 = arith.constant 0 : i32
      %dma_wait3A_392 = tpu.memref_slice %arg7[%add3A_353, %dma_wait3A_391] : memref<128x50xi32, #tpu.memory_space<vmem>> -> memref<1x50xi32, #tpu.memory_space<vmem>>
      %dma_wait3A_393 = tpu.memref_squeeze %dma_wait3A_392 : memref<1x50xi32, #tpu.memory_space<vmem>> -> memref<50xi32, #tpu.memory_space<vmem>>
      %dma_wait3A_394 = arith.constant 0 : i32
      %dma_wait3A_395 = arith.constant 0 : i32
      %dma_wait3A_396 = tpu.memref_slice %arg3[%dma_wait3A_394, %dma_wait3A_395] : memref<100000x64xf32, #tpu.memory_space<hbm>> -> memref<100000x64xf32, #tpu.memory_space<hbm>>
      %dma_wait3A_397 = tpu.memref_slice %arg10[%dma_wait3A_386] : memref<4x!tpu.dma_semaphore, #tpu.memory_space<semaphore_mem>> -> memref<1x!tpu.dma_semaphore, #tpu.memory_space<semaphore_mem>>
      %dma_wait3A_398 = tpu.memref_squeeze %dma_wait3A_397 : memref<1x!tpu.dma_semaphore, #tpu.memory_space<semaphore_mem>> -> memref<!tpu.dma_semaphore, #tpu.memory_space<semaphore_mem>>
      tpu.wait_indirect_dma semaphore(%dma_wait3A_398 : memref<!tpu.dma_semaphore, #tpu.memory_space<semaphore_mem>>) src(%dma_wait3A_396 : memref<100000x64xf32, #tpu.memory_space<hbm>>) dst(%dma_wait3A_390 : memref<50x64xf32, #tpu.memory_space<vmem>>)
      %dma_wait3A_399 = arith.constant 1 : i32
      %dma_wait3A_400 = arith.constant 1 : i32
      %dma_wait3A_401 = arith.constant 1 : i32
      %dma_wait3A_402 = arith.constant 0 : i32
      %dma_wait3A_403 = arith.constant 0 : i32
      %dma_wait3A_404 = tpu.memref_slice %arg9[%dma_wait3A_399, %dma_wait3A_400, %dma_wait3A_402, %dma_wait3A_403] : memref<4x2x50x64xf32, #tpu.memory_space<vmem>> -> memref<1x1x50x64xf32, #tpu.memory_space<vmem>>
      %dma_wait3A_405 = tpu.memref_squeeze %dma_wait3A_404 : memref<1x1x50x64xf32, #tpu.memory_space<vmem>> -> memref<50x64xf32, #tpu.memory_space<vmem>>
      %dma_wait3A_406 = arith.constant 0 : i32
      %dma_wait3A_407 = tpu.memref_slice %arg7[%add3A_353, %dma_wait3A_406] : memref<128x50xi32, #tpu.memory_space<vmem>> -> memref<1x50xi32, #tpu.memory_space<vmem>>
      %dma_wait3A_408 = tpu.memref_squeeze %dma_wait3A_407 : memref<1x50xi32, #tpu.memory_space<vmem>> -> memref<50xi32, #tpu.memory_space<vmem>>
      %dma_wait3A_409 = arith.constant 0 : i32
      %dma_wait3A_410 = arith.constant 0 : i32
      %dma_wait3A_411 = tpu.memref_slice %arg4[%dma_wait3A_409, %dma_wait3A_410] : memref<100000x64xf32, #tpu.memory_space<hbm>> -> memref<100000x64xf32, #tpu.memory_space<hbm>>
      %dma_wait3A_412 = tpu.memref_slice %arg11[%dma_wait3A_401] : memref<4x!tpu.dma_semaphore, #tpu.memory_space<semaphore_mem>> -> memref<1x!tpu.dma_semaphore, #tpu.memory_space<semaphore_mem>>
      %dma_wait3A_413 = tpu.memref_squeeze %dma_wait3A_412 : memref<1x!tpu.dma_semaphore, #tpu.memory_space<semaphore_mem>> -> memref<!tpu.dma_semaphore, #tpu.memory_space<semaphore_mem>>
      tpu.wait_indirect_dma semaphore(%dma_wait3A_413 : memref<!tpu.dma_semaphore, #tpu.memory_space<semaphore_mem>>) src(%dma_wait3A_411 : memref<100000x64xf32, #tpu.memory_space<hbm>>) dst(%dma_wait3A_405 : memref<50x64xf32, #tpu.memory_space<vmem>>)
      %mul3A_414 = arith.constant 2 : i32
      %mul3A_415 = arith.muli %mul3A_414, %add3A_345 : i32
      %add3A_416 = arith.addi %mul3A_2, %mul3A_415 : i32
      %dma_start3A_417 = arith.constant 1 : i32
      %dma_start3A_418 = arith.constant 1 : i32
      %dma_start3A_419 = arith.constant 0 : i32
      %dma_start3A_420 = arith.constant 0 : i32
      %dma_start3A_421 = arith.constant 0 : i32
      %dma_start3A_422 = tpu.memref_slice %arg8[%dma_start3A_417, %dma_start3A_419, %dma_start3A_420, %dma_start3A_421] : memref<4x2x50x64xf32, #tpu.memory_space<vmem>> -> memref<1x2x50x64xf32, #tpu.memory_space<vmem>>
      %dma_start3A_423 = tpu.memref_squeeze %dma_start3A_422 : memref<1x2x50x64xf32, #tpu.memory_space<vmem>> -> memref<2x50x64xf32, #tpu.memory_space<vmem>>
      %dma_start3A_424 = arith.constant 0 : i32
      %dma_start3A_425 = arith.constant 0 : i32
      %dma_start3A_426 = tpu.memref_slice %arg5[%add3A_416, %dma_start3A_424, %dma_start3A_425] : memref<4096x50x64xf32, #tpu.memory_space<hbm>> -> memref<2x50x64xf32, #tpu.memory_space<hbm>>
      %dma_start3A_427 = tpu.memref_slice %arg12[%dma_start3A_418] : memref<4x!tpu.dma_semaphore, #tpu.memory_space<semaphore_mem>> -> memref<1x!tpu.dma_semaphore, #tpu.memory_space<semaphore_mem>>
      %dma_start3A_428 = tpu.memref_squeeze %dma_start3A_427 : memref<1x!tpu.dma_semaphore, #tpu.memory_space<semaphore_mem>> -> memref<!tpu.dma_semaphore, #tpu.memory_space<semaphore_mem>>
      %dma_start3A_429 = arith.constant 0 : i32
      %dma_start3A_430 = arith.constant 0 : i32
      %dma_start3A_431 = tpu.memref_slice %arg5[%add3A_416, %dma_start3A_429, %dma_start3A_430] : memref<4096x50x64xf32, #tpu.memory_space<hbm>> -> memref<2x50x64xf32, #tpu.memory_space<hbm>>
      %dma_start3A_432 = arith.constant 0 : i32
      %dma_start3A_433 = arith.constant 0 : i32
      %dma_start3A_434 = arith.constant 0 : i32
      %dma_start3A_435 = tpu.memref_slice %arg8[%dma_start3A_417, %dma_start3A_432, %dma_start3A_433, %dma_start3A_434] : memref<4x2x50x64xf32, #tpu.memory_space<vmem>> -> memref<1x2x50x64xf32, #tpu.memory_space<vmem>>
      %dma_start3A_436 = tpu.memref_squeeze %dma_start3A_435 : memref<1x2x50x64xf32, #tpu.memory_space<vmem>> -> memref<2x50x64xf32, #tpu.memory_space<vmem>>
      tpu.enqueue_dma source(%dma_start3A_436 : memref<2x50x64xf32, #tpu.memory_space<vmem>>) target(%dma_start3A_431 : memref<2x50x64xf32, #tpu.memory_space<hbm>>) target_semaphore(%dma_start3A_428 : memref<!tpu.dma_semaphore, #tpu.memory_space<semaphore_mem>>)
      %dma_start3A_437 = arith.constant 1 : i32
      %dma_start3A_438 = arith.constant 1 : i32
      %dma_start3A_439 = arith.constant 0 : i32
      %dma_start3A_440 = arith.constant 0 : i32
      %dma_start3A_441 = arith.constant 0 : i32
      %dma_start3A_442 = tpu.memref_slice %arg9[%dma_start3A_437, %dma_start3A_439, %dma_start3A_440, %dma_start3A_441] : memref<4x2x50x64xf32, #tpu.memory_space<vmem>> -> memref<1x2x50x64xf32, #tpu.memory_space<vmem>>
      %dma_start3A_443 = tpu.memref_squeeze %dma_start3A_442 : memref<1x2x50x64xf32, #tpu.memory_space<vmem>> -> memref<2x50x64xf32, #tpu.memory_space<vmem>>
      %dma_start3A_444 = arith.constant 0 : i32
      %dma_start3A_445 = arith.constant 0 : i32
      %dma_start3A_446 = tpu.memref_slice %arg6[%add3A_416, %dma_start3A_444, %dma_start3A_445] : memref<4096x50x64xf32, #tpu.memory_space<hbm>> -> memref<2x50x64xf32, #tpu.memory_space<hbm>>
      %dma_start3A_447 = tpu.memref_slice %arg13[%dma_start3A_438] : memref<4x!tpu.dma_semaphore, #tpu.memory_space<semaphore_mem>> -> memref<1x!tpu.dma_semaphore, #tpu.memory_space<semaphore_mem>>
      %dma_start3A_448 = tpu.memref_squeeze %dma_start3A_447 : memref<1x!tpu.dma_semaphore, #tpu.memory_space<semaphore_mem>> -> memref<!tpu.dma_semaphore, #tpu.memory_space<semaphore_mem>>
      %dma_start3A_449 = arith.constant 0 : i32
      %dma_start3A_450 = arith.constant 0 : i32
      %dma_start3A_451 = tpu.memref_slice %arg6[%add3A_416, %dma_start3A_449, %dma_start3A_450] : memref<4096x50x64xf32, #tpu.memory_space<hbm>> -> memref<2x50x64xf32, #tpu.memory_space<hbm>>
      %dma_start3A_452 = arith.constant 0 : i32
      %dma_start3A_453 = arith.constant 0 : i32
      %dma_start3A_454 = arith.constant 0 : i32
      %dma_start3A_455 = tpu.memref_slice %arg9[%dma_start3A_437, %dma_start3A_452, %dma_start3A_453, %dma_start3A_454] : memref<4x2x50x64xf32, #tpu.memory_space<vmem>> -> memref<1x2x50x64xf32, #tpu.memory_space<vmem>>
      %dma_start3A_456 = tpu.memref_squeeze %dma_start3A_455 : memref<1x2x50x64xf32, #tpu.memory_space<vmem>> -> memref<2x50x64xf32, #tpu.memory_space<vmem>>
      tpu.enqueue_dma source(%dma_start3A_456 : memref<2x50x64xf32, #tpu.memory_space<vmem>>) target(%dma_start3A_451 : memref<2x50x64xf32, #tpu.memory_space<hbm>>) target_semaphore(%dma_start3A_448 : memref<!tpu.dma_semaphore, #tpu.memory_space<semaphore_mem>>)
      %add3A_457 = arith.constant 2 : i32
      %add3A_458 = arith.addi %add3A_345, %add3A_457 : i32
      %ge3A_459 = arith.constant 4 : i32
      %ge3A_460 = arith.cmpi sge, %add3A_458, %ge3A_459 : i32
      %convert_element_type3A_461 = arith.extui %ge3A_460 : i1 to i32
      %cond3A_462 = arith.constant 0 : i32
      %cond3A_463 = arith.cmpi ne, %convert_element_type3A_461, %cond3A_462 : i32
      scf.if %cond3A_463 {
        %sub3A = arith.constant 4 : i32
        %sub3A_723 = arith.subi %add3A_458, %sub3A : i32
        %mul3A_724 = arith.constant 2 : i32
        %mul3A_725 = arith.muli %mul3A_724, %sub3A_723 : i32
        %add3A_726 = arith.addi %mul3A_2, %mul3A_725 : i32
        %dma_wait3A_727 = arith.constant 3 : i32
        %dma_wait3A_728 = arith.constant 3 : i32
        %dma_wait3A_729 = arith.constant 0 : i32
        %dma_wait3A_730 = arith.constant 0 : i32
        %dma_wait3A_731 = arith.constant 0 : i32
        %dma_wait3A_732 = tpu.memref_slice %arg8[%dma_wait3A_727, %dma_wait3A_729, %dma_wait3A_730, %dma_wait3A_731] : memref<4x2x50x64xf32, #tpu.memory_space<vmem>> -> memref<1x2x50x64xf32, #tpu.memory_space<vmem>>
        %dma_wait3A_733 = tpu.memref_squeeze %dma_wait3A_732 : memref<1x2x50x64xf32, #tpu.memory_space<vmem>> -> memref<2x50x64xf32, #tpu.memory_space<vmem>>
        %dma_wait3A_734 = arith.constant 0 : i32
        %dma_wait3A_735 = arith.constant 0 : i32
        %dma_wait3A_736 = tpu.memref_slice %arg5[%add3A_726, %dma_wait3A_734, %dma_wait3A_735] : memref<4096x50x64xf32, #tpu.memory_space<hbm>> -> memref<2x50x64xf32, #tpu.memory_space<hbm>>
        %dma_wait3A_737 = tpu.memref_slice %arg12[%dma_wait3A_728] : memref<4x!tpu.dma_semaphore, #tpu.memory_space<semaphore_mem>> -> memref<1x!tpu.dma_semaphore, #tpu.memory_space<semaphore_mem>>
        %dma_wait3A_738 = tpu.memref_squeeze %dma_wait3A_737 : memref<1x!tpu.dma_semaphore, #tpu.memory_space<semaphore_mem>> -> memref<!tpu.dma_semaphore, #tpu.memory_space<semaphore_mem>>
        %dma_wait3A_739 = arith.constant 0 : i32
        %dma_wait3A_740 = arith.constant 0 : i32
        %dma_wait3A_741 = tpu.memref_slice %arg5[%add3A_726, %dma_wait3A_739, %dma_wait3A_740] : memref<4096x50x64xf32, #tpu.memory_space<hbm>> -> memref<2x50x64xf32, #tpu.memory_space<hbm>>
        %dma_wait3A_742 = arith.constant 0 : i32
        %dma_wait3A_743 = arith.constant 0 : i32
        %dma_wait3A_744 = arith.constant 0 : i32
        %dma_wait3A_745 = tpu.memref_slice %arg8[%dma_wait3A_727, %dma_wait3A_742, %dma_wait3A_743, %dma_wait3A_744] : memref<4x2x50x64xf32, #tpu.memory_space<vmem>> -> memref<1x2x50x64xf32, #tpu.memory_space<vmem>>
        %dma_wait3A_746 = tpu.memref_squeeze %dma_wait3A_745 : memref<1x2x50x64xf32, #tpu.memory_space<vmem>> -> memref<2x50x64xf32, #tpu.memory_space<vmem>>
        tpu.wait_dma2 semaphore(%dma_wait3A_738 : memref<!tpu.dma_semaphore, #tpu.memory_space<semaphore_mem>>) src(%dma_wait3A_746 : memref<2x50x64xf32, #tpu.memory_space<vmem>>) dst(%dma_wait3A_741 : memref<2x50x64xf32, #tpu.memory_space<hbm>>)
        %dma_wait3A_747 = arith.constant 3 : i32
        %dma_wait3A_748 = arith.constant 3 : i32
        %dma_wait3A_749 = arith.constant 0 : i32
        %dma_wait3A_750 = arith.constant 0 : i32
        %dma_wait3A_751 = arith.constant 0 : i32
        %dma_wait3A_752 = tpu.memref_slice %arg9[%dma_wait3A_747, %dma_wait3A_749, %dma_wait3A_750, %dma_wait3A_751] : memref<4x2x50x64xf32, #tpu.memory_space<vmem>> -> memref<1x2x50x64xf32, #tpu.memory_space<vmem>>
        %dma_wait3A_753 = tpu.memref_squeeze %dma_wait3A_752 : memref<1x2x50x64xf32, #tpu.memory_space<vmem>> -> memref<2x50x64xf32, #tpu.memory_space<vmem>>
        %dma_wait3A_754 = arith.constant 0 : i32
        %dma_wait3A_755 = arith.constant 0 : i32
        %dma_wait3A_756 = tpu.memref_slice %arg6[%add3A_726, %dma_wait3A_754, %dma_wait3A_755] : memref<4096x50x64xf32, #tpu.memory_space<hbm>> -> memref<2x50x64xf32, #tpu.memory_space<hbm>>
        %dma_wait3A_757 = tpu.memref_slice %arg13[%dma_wait3A_748] : memref<4x!tpu.dma_semaphore, #tpu.memory_space<semaphore_mem>> -> memref<1x!tpu.dma_semaphore, #tpu.memory_space<semaphore_mem>>
        %dma_wait3A_758 = tpu.memref_squeeze %dma_wait3A_757 : memref<1x!tpu.dma_semaphore, #tpu.memory_space<semaphore_mem>> -> memref<!tpu.dma_semaphore, #tpu.memory_space<semaphore_mem>>
        %dma_wait3A_759 = arith.constant 0 : i32
        %dma_wait3A_760 = arith.constant 0 : i32
        %dma_wait3A_761 = tpu.memref_slice %arg6[%add3A_726, %dma_wait3A_759, %dma_wait3A_760] : memref<4096x50x64xf32, #tpu.memory_space<hbm>> -> memref<2x50x64xf32, #tpu.memory_space<hbm>>
        %dma_wait3A_762 = arith.constant 0 : i32
        %dma_wait3A_763 = arith.constant 0 : i32
        %dma_wait3A_764 = arith.constant 0 : i32
        %dma_wait3A_765 = tpu.memref_slice %arg9[%dma_wait3A_747, %dma_wait3A_762, %dma_wait3A_763, %dma_wait3A_764] : memref<4x2x50x64xf32, #tpu.memory_space<vmem>> -> memref<1x2x50x64xf32, #tpu.memory_space<vmem>>
        %dma_wait3A_766 = tpu.memref_squeeze %dma_wait3A_765 : memref<1x2x50x64xf32, #tpu.memory_space<vmem>> -> memref<2x50x64xf32, #tpu.memory_space<vmem>>
        tpu.wait_dma2 semaphore(%dma_wait3A_758 : memref<!tpu.dma_semaphore, #tpu.memory_space<semaphore_mem>>) src(%dma_wait3A_766 : memref<2x50x64xf32, #tpu.memory_space<vmem>>) dst(%dma_wait3A_761 : memref<2x50x64xf32, #tpu.memory_space<hbm>>)
      } else {
      }
      %lt3A_464 = arith.constant 64 : i32
      %lt3A_465 = arith.cmpi slt, %add3A_458, %lt3A_464 : i32
      %convert_element_type3A_466 = arith.extui %lt3A_465 : i1 to i32
      %cond3A_467 = arith.constant 0 : i32
      %cond3A_468 = arith.cmpi ne, %convert_element_type3A_466, %cond3A_467 : i32
      scf.if %cond3A_468 {
        %mul3A_723 = arith.constant 2 : i32
        %mul3A_724 = arith.muli %mul3A_723, %add3A_458 : i32
        %add3A_725 = arith.constant 0 : i32
        %add3A_726 = arith.addi %mul3A_724, %add3A_725 : i32
        %mul3A_727 = arith.constant 2 : i32
        %mul3A_728 = arith.muli %mul3A_727, %add3A_458 : i32
        %add3A_729 = arith.constant 1 : i32
        %add3A_730 = arith.addi %mul3A_728, %add3A_729 : i32
        %dma_start3A_731 = arith.constant 3 : i32
        %dma_start3A_732 = arith.constant 0 : i32
        %dma_start3A_733 = arith.constant 3 : i32
        %dma_start3A_734 = arith.constant 0 : i32
        %dma_start3A_735 = arith.constant 0 : i32
        %dma_start3A_736 = tpu.memref_slice %arg8[%dma_start3A_731, %dma_start3A_732, %dma_start3A_734, %dma_start3A_735] : memref<4x2x50x64xf32, #tpu.memory_space<vmem>> -> memref<1x1x50x64xf32, #tpu.memory_space<vmem>>
        %dma_start3A_737 = tpu.memref_squeeze %dma_start3A_736 : memref<1x1x50x64xf32, #tpu.memory_space<vmem>> -> memref<50x64xf32, #tpu.memory_space<vmem>>
        %dma_start3A_738 = arith.constant 0 : i32
        %dma_start3A_739 = tpu.memref_slice %arg7[%add3A_726, %dma_start3A_738] : memref<128x50xi32, #tpu.memory_space<vmem>> -> memref<1x50xi32, #tpu.memory_space<vmem>>
        %dma_start3A_740 = tpu.memref_squeeze %dma_start3A_739 : memref<1x50xi32, #tpu.memory_space<vmem>> -> memref<50xi32, #tpu.memory_space<vmem>>
        %dma_start3A_741 = arith.constant 0 : i32
        %dma_start3A_742 = arith.constant 0 : i32
        %dma_start3A_743 = tpu.memref_slice %arg3[%dma_start3A_741, %dma_start3A_742] : memref<100000x64xf32, #tpu.memory_space<hbm>> -> memref<100000x64xf32, #tpu.memory_space<hbm>>
        %dma_start3A_744 = tpu.memref_slice %arg10[%dma_start3A_733] : memref<4x!tpu.dma_semaphore, #tpu.memory_space<semaphore_mem>> -> memref<1x!tpu.dma_semaphore, #tpu.memory_space<semaphore_mem>>
        %dma_start3A_745 = tpu.memref_squeeze %dma_start3A_744 : memref<1x!tpu.dma_semaphore, #tpu.memory_space<semaphore_mem>> -> memref<!tpu.dma_semaphore, #tpu.memory_space<semaphore_mem>>
        tpu.enqueue_indirect_dma source(%dma_start3A_743 : memref<100000x64xf32, #tpu.memory_space<hbm>>) target(%dma_start3A_737 : memref<50x64xf32, #tpu.memory_space<vmem>>) offsets(%dma_start3A_740 : memref<50xi32, #tpu.memory_space<vmem>>) semaphore(%dma_start3A_745 : memref<!tpu.dma_semaphore, #tpu.memory_space<semaphore_mem>>)
        %dma_start3A_746 = arith.constant 3 : i32
        %dma_start3A_747 = arith.constant 0 : i32
        %dma_start3A_748 = arith.constant 3 : i32
        %dma_start3A_749 = arith.constant 0 : i32
        %dma_start3A_750 = arith.constant 0 : i32
        %dma_start3A_751 = tpu.memref_slice %arg9[%dma_start3A_746, %dma_start3A_747, %dma_start3A_749, %dma_start3A_750] : memref<4x2x50x64xf32, #tpu.memory_space<vmem>> -> memref<1x1x50x64xf32, #tpu.memory_space<vmem>>
        %dma_start3A_752 = tpu.memref_squeeze %dma_start3A_751 : memref<1x1x50x64xf32, #tpu.memory_space<vmem>> -> memref<50x64xf32, #tpu.memory_space<vmem>>
        %dma_start3A_753 = arith.constant 0 : i32
        %dma_start3A_754 = tpu.memref_slice %arg7[%add3A_726, %dma_start3A_753] : memref<128x50xi32, #tpu.memory_space<vmem>> -> memref<1x50xi32, #tpu.memory_space<vmem>>
        %dma_start3A_755 = tpu.memref_squeeze %dma_start3A_754 : memref<1x50xi32, #tpu.memory_space<vmem>> -> memref<50xi32, #tpu.memory_space<vmem>>
        %dma_start3A_756 = arith.constant 0 : i32
        %dma_start3A_757 = arith.constant 0 : i32
        %dma_start3A_758 = tpu.memref_slice %arg4[%dma_start3A_756, %dma_start3A_757] : memref<100000x64xf32, #tpu.memory_space<hbm>> -> memref<100000x64xf32, #tpu.memory_space<hbm>>
        %dma_start3A_759 = tpu.memref_slice %arg11[%dma_start3A_748] : memref<4x!tpu.dma_semaphore, #tpu.memory_space<semaphore_mem>> -> memref<1x!tpu.dma_semaphore, #tpu.memory_space<semaphore_mem>>
        %dma_start3A_760 = tpu.memref_squeeze %dma_start3A_759 : memref<1x!tpu.dma_semaphore, #tpu.memory_space<semaphore_mem>> -> memref<!tpu.dma_semaphore, #tpu.memory_space<semaphore_mem>>
        tpu.enqueue_indirect_dma source(%dma_start3A_758 : memref<100000x64xf32, #tpu.memory_space<hbm>>) target(%dma_start3A_752 : memref<50x64xf32, #tpu.memory_space<vmem>>) offsets(%dma_start3A_755 : memref<50xi32, #tpu.memory_space<vmem>>) semaphore(%dma_start3A_760 : memref<!tpu.dma_semaphore, #tpu.memory_space<semaphore_mem>>)
        %dma_start3A_761 = arith.constant 3 : i32
        %dma_start3A_762 = arith.constant 1 : i32
        %dma_start3A_763 = arith.constant 3 : i32
        %dma_start3A_764 = arith.constant 0 : i32
        %dma_start3A_765 = arith.constant 0 : i32
        %dma_start3A_766 = tpu.memref_slice %arg8[%dma_start3A_761, %dma_start3A_762, %dma_start3A_764, %dma_start3A_765] : memref<4x2x50x64xf32, #tpu.memory_space<vmem>> -> memref<1x1x50x64xf32, #tpu.memory_space<vmem>>
        %dma_start3A_767 = tpu.memref_squeeze %dma_start3A_766 : memref<1x1x50x64xf32, #tpu.memory_space<vmem>> -> memref<50x64xf32, #tpu.memory_space<vmem>>
        %dma_start3A_768 = arith.constant 0 : i32
        %dma_start3A_769 = tpu.memref_slice %arg7[%add3A_730, %dma_start3A_768] : memref<128x50xi32, #tpu.memory_space<vmem>> -> memref<1x50xi32, #tpu.memory_space<vmem>>
        %dma_start3A_770 = tpu.memref_squeeze %dma_start3A_769 : memref<1x50xi32, #tpu.memory_space<vmem>> -> memref<50xi32, #tpu.memory_space<vmem>>
        %dma_start3A_771 = arith.constant 0 : i32
        %dma_start3A_772 = arith.constant 0 : i32
        %dma_start3A_773 = tpu.memref_slice %arg3[%dma_start3A_771, %dma_start3A_772] : memref<100000x64xf32, #tpu.memory_space<hbm>> -> memref<100000x64xf32, #tpu.memory_space<hbm>>
        %dma_start3A_774 = tpu.memref_slice %arg10[%dma_start3A_763] : memref<4x!tpu.dma_semaphore, #tpu.memory_space<semaphore_mem>> -> memref<1x!tpu.dma_semaphore, #tpu.memory_space<semaphore_mem>>
        %dma_start3A_775 = tpu.memref_squeeze %dma_start3A_774 : memref<1x!tpu.dma_semaphore, #tpu.memory_space<semaphore_mem>> -> memref<!tpu.dma_semaphore, #tpu.memory_space<semaphore_mem>>
        tpu.enqueue_indirect_dma source(%dma_start3A_773 : memref<100000x64xf32, #tpu.memory_space<hbm>>) target(%dma_start3A_767 : memref<50x64xf32, #tpu.memory_space<vmem>>) offsets(%dma_start3A_770 : memref<50xi32, #tpu.memory_space<vmem>>) semaphore(%dma_start3A_775 : memref<!tpu.dma_semaphore, #tpu.memory_space<semaphore_mem>>)
        %dma_start3A_776 = arith.constant 3 : i32
        %dma_start3A_777 = arith.constant 1 : i32
        %dma_start3A_778 = arith.constant 3 : i32
        %dma_start3A_779 = arith.constant 0 : i32
        %dma_start3A_780 = arith.constant 0 : i32
        %dma_start3A_781 = tpu.memref_slice %arg9[%dma_start3A_776, %dma_start3A_777, %dma_start3A_779, %dma_start3A_780] : memref<4x2x50x64xf32, #tpu.memory_space<vmem>> -> memref<1x1x50x64xf32, #tpu.memory_space<vmem>>
        %dma_start3A_782 = tpu.memref_squeeze %dma_start3A_781 : memref<1x1x50x64xf32, #tpu.memory_space<vmem>> -> memref<50x64xf32, #tpu.memory_space<vmem>>
        %dma_start3A_783 = arith.constant 0 : i32
        %dma_start3A_784 = tpu.memref_slice %arg7[%add3A_730, %dma_start3A_783] : memref<128x50xi32, #tpu.memory_space<vmem>> -> memref<1x50xi32, #tpu.memory_space<vmem>>
        %dma_start3A_785 = tpu.memref_squeeze %dma_start3A_784 : memref<1x50xi32, #tpu.memory_space<vmem>> -> memref<50xi32, #tpu.memory_space<vmem>>
        %dma_start3A_786 = arith.constant 0 : i32
        %dma_start3A_787 = arith.constant 0 : i32
        %dma_start3A_788 = tpu.memref_slice %arg4[%dma_start3A_786, %dma_start3A_787] : memref<100000x64xf32, #tpu.memory_space<hbm>> -> memref<100000x64xf32, #tpu.memory_space<hbm>>
        %dma_start3A_789 = tpu.memref_slice %arg11[%dma_start3A_778] : memref<4x!tpu.dma_semaphore, #tpu.memory_space<semaphore_mem>> -> memref<1x!tpu.dma_semaphore, #tpu.memory_space<semaphore_mem>>
        %dma_start3A_790 = tpu.memref_squeeze %dma_start3A_789 : memref<1x!tpu.dma_semaphore, #tpu.memory_space<semaphore_mem>> -> memref<!tpu.dma_semaphore, #tpu.memory_space<semaphore_mem>>
        tpu.enqueue_indirect_dma source(%dma_start3A_788 : memref<100000x64xf32, #tpu.memory_space<hbm>>) target(%dma_start3A_782 : memref<50x64xf32, #tpu.memory_space<vmem>>) offsets(%dma_start3A_785 : memref<50xi32, #tpu.memory_space<vmem>>) semaphore(%dma_start3A_790 : memref<!tpu.dma_semaphore, #tpu.memory_space<semaphore_mem>>)
      } else {
      }
      %mul3A_469 = arith.constant 4 : i32
      %mul3A_470 = arith.muli %scan3A_218, %mul3A_469 : i32
      %add3A_471 = arith.constant 2 : i32
      %add3A_472 = arith.addi %mul3A_470, %add3A_471 : i32
      %mul3A_473 = arith.constant 2 : i32
      %mul3A_474 = arith.muli %mul3A_473, %add3A_472 : i32
      %add3A_475 = arith.constant 0 : i32
      %add3A_476 = arith.addi %mul3A_474, %add3A_475 : i32
      %mul3A_477 = arith.constant 2 : i32
      %mul3A_478 = arith.muli %mul3A_477, %add3A_472 : i32
      %add3A_479 = arith.constant 1 : i32
      %add3A_480 = arith.addi %mul3A_478, %add3A_479 : i32
      %dma_wait3A_481 = arith.constant 2 : i32
      %dma_wait3A_482 = arith.constant 0 : i32
      %dma_wait3A_483 = arith.constant 2 : i32
      %dma_wait3A_484 = arith.constant 0 : i32
      %dma_wait3A_485 = arith.constant 0 : i32
      %dma_wait3A_486 = tpu.memref_slice %arg8[%dma_wait3A_481, %dma_wait3A_482, %dma_wait3A_484, %dma_wait3A_485] : memref<4x2x50x64xf32, #tpu.memory_space<vmem>> -> memref<1x1x50x64xf32, #tpu.memory_space<vmem>>
      %dma_wait3A_487 = tpu.memref_squeeze %dma_wait3A_486 : memref<1x1x50x64xf32, #tpu.memory_space<vmem>> -> memref<50x64xf32, #tpu.memory_space<vmem>>
      %dma_wait3A_488 = arith.constant 0 : i32
      %dma_wait3A_489 = tpu.memref_slice %arg7[%add3A_476, %dma_wait3A_488] : memref<128x50xi32, #tpu.memory_space<vmem>> -> memref<1x50xi32, #tpu.memory_space<vmem>>
      %dma_wait3A_490 = tpu.memref_squeeze %dma_wait3A_489 : memref<1x50xi32, #tpu.memory_space<vmem>> -> memref<50xi32, #tpu.memory_space<vmem>>
      %dma_wait3A_491 = arith.constant 0 : i32
      %dma_wait3A_492 = arith.constant 0 : i32
      %dma_wait3A_493 = tpu.memref_slice %arg3[%dma_wait3A_491, %dma_wait3A_492] : memref<100000x64xf32, #tpu.memory_space<hbm>> -> memref<100000x64xf32, #tpu.memory_space<hbm>>
      %dma_wait3A_494 = tpu.memref_slice %arg10[%dma_wait3A_483] : memref<4x!tpu.dma_semaphore, #tpu.memory_space<semaphore_mem>> -> memref<1x!tpu.dma_semaphore, #tpu.memory_space<semaphore_mem>>
      %dma_wait3A_495 = tpu.memref_squeeze %dma_wait3A_494 : memref<1x!tpu.dma_semaphore, #tpu.memory_space<semaphore_mem>> -> memref<!tpu.dma_semaphore, #tpu.memory_space<semaphore_mem>>
      tpu.wait_indirect_dma semaphore(%dma_wait3A_495 : memref<!tpu.dma_semaphore, #tpu.memory_space<semaphore_mem>>) src(%dma_wait3A_493 : memref<100000x64xf32, #tpu.memory_space<hbm>>) dst(%dma_wait3A_487 : memref<50x64xf32, #tpu.memory_space<vmem>>)
      %dma_wait3A_496 = arith.constant 2 : i32
      %dma_wait3A_497 = arith.constant 0 : i32
      %dma_wait3A_498 = arith.constant 2 : i32
      %dma_wait3A_499 = arith.constant 0 : i32
      %dma_wait3A_500 = arith.constant 0 : i32
      %dma_wait3A_501 = tpu.memref_slice %arg9[%dma_wait3A_496, %dma_wait3A_497, %dma_wait3A_499, %dma_wait3A_500] : memref<4x2x50x64xf32, #tpu.memory_space<vmem>> -> memref<1x1x50x64xf32, #tpu.memory_space<vmem>>
      %dma_wait3A_502 = tpu.memref_squeeze %dma_wait3A_501 : memref<1x1x50x64xf32, #tpu.memory_space<vmem>> -> memref<50x64xf32, #tpu.memory_space<vmem>>
      %dma_wait3A_503 = arith.constant 0 : i32
      %dma_wait3A_504 = tpu.memref_slice %arg7[%add3A_476, %dma_wait3A_503] : memref<128x50xi32, #tpu.memory_space<vmem>> -> memref<1x50xi32, #tpu.memory_space<vmem>>
      %dma_wait3A_505 = tpu.memref_squeeze %dma_wait3A_504 : memref<1x50xi32, #tpu.memory_space<vmem>> -> memref<50xi32, #tpu.memory_space<vmem>>
      %dma_wait3A_506 = arith.constant 0 : i32
      %dma_wait3A_507 = arith.constant 0 : i32
      %dma_wait3A_508 = tpu.memref_slice %arg4[%dma_wait3A_506, %dma_wait3A_507] : memref<100000x64xf32, #tpu.memory_space<hbm>> -> memref<100000x64xf32, #tpu.memory_space<hbm>>
      %dma_wait3A_509 = tpu.memref_slice %arg11[%dma_wait3A_498] : memref<4x!tpu.dma_semaphore, #tpu.memory_space<semaphore_mem>> -> memref<1x!tpu.dma_semaphore, #tpu.memory_space<semaphore_mem>>
      %dma_wait3A_510 = tpu.memref_squeeze %dma_wait3A_509 : memref<1x!tpu.dma_semaphore, #tpu.memory_space<semaphore_mem>> -> memref<!tpu.dma_semaphore, #tpu.memory_space<semaphore_mem>>
      tpu.wait_indirect_dma semaphore(%dma_wait3A_510 : memref<!tpu.dma_semaphore, #tpu.memory_space<semaphore_mem>>) src(%dma_wait3A_508 : memref<100000x64xf32, #tpu.memory_space<hbm>>) dst(%dma_wait3A_502 : memref<50x64xf32, #tpu.memory_space<vmem>>)
      %dma_wait3A_511 = arith.constant 2 : i32
      %dma_wait3A_512 = arith.constant 1 : i32
      %dma_wait3A_513 = arith.constant 2 : i32
      %dma_wait3A_514 = arith.constant 0 : i32
      %dma_wait3A_515 = arith.constant 0 : i32
      %dma_wait3A_516 = tpu.memref_slice %arg8[%dma_wait3A_511, %dma_wait3A_512, %dma_wait3A_514, %dma_wait3A_515] : memref<4x2x50x64xf32, #tpu.memory_space<vmem>> -> memref<1x1x50x64xf32, #tpu.memory_space<vmem>>
      %dma_wait3A_517 = tpu.memref_squeeze %dma_wait3A_516 : memref<1x1x50x64xf32, #tpu.memory_space<vmem>> -> memref<50x64xf32, #tpu.memory_space<vmem>>
      %dma_wait3A_518 = arith.constant 0 : i32
      %dma_wait3A_519 = tpu.memref_slice %arg7[%add3A_480, %dma_wait3A_518] : memref<128x50xi32, #tpu.memory_space<vmem>> -> memref<1x50xi32, #tpu.memory_space<vmem>>
      %dma_wait3A_520 = tpu.memref_squeeze %dma_wait3A_519 : memref<1x50xi32, #tpu.memory_space<vmem>> -> memref<50xi32, #tpu.memory_space<vmem>>
      %dma_wait3A_521 = arith.constant 0 : i32
      %dma_wait3A_522 = arith.constant 0 : i32
      %dma_wait3A_523 = tpu.memref_slice %arg3[%dma_wait3A_521, %dma_wait3A_522] : memref<100000x64xf32, #tpu.memory_space<hbm>> -> memref<100000x64xf32, #tpu.memory_space<hbm>>
      %dma_wait3A_524 = tpu.memref_slice %arg10[%dma_wait3A_513] : memref<4x!tpu.dma_semaphore, #tpu.memory_space<semaphore_mem>> -> memref<1x!tpu.dma_semaphore, #tpu.memory_space<semaphore_mem>>
      %dma_wait3A_525 = tpu.memref_squeeze %dma_wait3A_524 : memref<1x!tpu.dma_semaphore, #tpu.memory_space<semaphore_mem>> -> memref<!tpu.dma_semaphore, #tpu.memory_space<semaphore_mem>>
      tpu.wait_indirect_dma semaphore(%dma_wait3A_525 : memref<!tpu.dma_semaphore, #tpu.memory_space<semaphore_mem>>) src(%dma_wait3A_523 : memref<100000x64xf32, #tpu.memory_space<hbm>>) dst(%dma_wait3A_517 : memref<50x64xf32, #tpu.memory_space<vmem>>)
      %dma_wait3A_526 = arith.constant 2 : i32
      %dma_wait3A_527 = arith.constant 1 : i32
      %dma_wait3A_528 = arith.constant 2 : i32
      %dma_wait3A_529 = arith.constant 0 : i32
      %dma_wait3A_530 = arith.constant 0 : i32
      %dma_wait3A_531 = tpu.memref_slice %arg9[%dma_wait3A_526, %dma_wait3A_527, %dma_wait3A_529, %dma_wait3A_530] : memref<4x2x50x64xf32, #tpu.memory_space<vmem>> -> memref<1x1x50x64xf32, #tpu.memory_space<vmem>>
      %dma_wait3A_532 = tpu.memref_squeeze %dma_wait3A_531 : memref<1x1x50x64xf32, #tpu.memory_space<vmem>> -> memref<50x64xf32, #tpu.memory_space<vmem>>
      %dma_wait3A_533 = arith.constant 0 : i32
      %dma_wait3A_534 = tpu.memref_slice %arg7[%add3A_480, %dma_wait3A_533] : memref<128x50xi32, #tpu.memory_space<vmem>> -> memref<1x50xi32, #tpu.memory_space<vmem>>
      %dma_wait3A_535 = tpu.memref_squeeze %dma_wait3A_534 : memref<1x50xi32, #tpu.memory_space<vmem>> -> memref<50xi32, #tpu.memory_space<vmem>>
      %dma_wait3A_536 = arith.constant 0 : i32
      %dma_wait3A_537 = arith.constant 0 : i32
      %dma_wait3A_538 = tpu.memref_slice %arg4[%dma_wait3A_536, %dma_wait3A_537] : memref<100000x64xf32, #tpu.memory_space<hbm>> -> memref<100000x64xf32, #tpu.memory_space<hbm>>
      %dma_wait3A_539 = tpu.memref_slice %arg11[%dma_wait3A_528] : memref<4x!tpu.dma_semaphore, #tpu.memory_space<semaphore_mem>> -> memref<1x!tpu.dma_semaphore, #tpu.memory_space<semaphore_mem>>
      %dma_wait3A_540 = tpu.memref_squeeze %dma_wait3A_539 : memref<1x!tpu.dma_semaphore, #tpu.memory_space<semaphore_mem>> -> memref<!tpu.dma_semaphore, #tpu.memory_space<semaphore_mem>>
      tpu.wait_indirect_dma semaphore(%dma_wait3A_540 : memref<!tpu.dma_semaphore, #tpu.memory_space<semaphore_mem>>) src(%dma_wait3A_538 : memref<100000x64xf32, #tpu.memory_space<hbm>>) dst(%dma_wait3A_532 : memref<50x64xf32, #tpu.memory_space<vmem>>)
      %mul3A_541 = arith.constant 2 : i32
      %mul3A_542 = arith.muli %mul3A_541, %add3A_472 : i32
      %add3A_543 = arith.addi %mul3A_2, %mul3A_542 : i32
      %dma_start3A_544 = arith.constant 2 : i32
      %dma_start3A_545 = arith.constant 2 : i32
      %dma_start3A_546 = arith.constant 0 : i32
      %dma_start3A_547 = arith.constant 0 : i32
      %dma_start3A_548 = arith.constant 0 : i32
      %dma_start3A_549 = tpu.memref_slice %arg8[%dma_start3A_544, %dma_start3A_546, %dma_start3A_547, %dma_start3A_548] : memref<4x2x50x64xf32, #tpu.memory_space<vmem>> -> memref<1x2x50x64xf32, #tpu.memory_space<vmem>>
      %dma_start3A_550 = tpu.memref_squeeze %dma_start3A_549 : memref<1x2x50x64xf32, #tpu.memory_space<vmem>> -> memref<2x50x64xf32, #tpu.memory_space<vmem>>
      %dma_start3A_551 = arith.constant 0 : i32
      %dma_start3A_552 = arith.constant 0 : i32
      %dma_start3A_553 = tpu.memref_slice %arg5[%add3A_543, %dma_start3A_551, %dma_start3A_552] : memref<4096x50x64xf32, #tpu.memory_space<hbm>> -> memref<2x50x64xf32, #tpu.memory_space<hbm>>
      %dma_start3A_554 = tpu.memref_slice %arg12[%dma_start3A_545] : memref<4x!tpu.dma_semaphore, #tpu.memory_space<semaphore_mem>> -> memref<1x!tpu.dma_semaphore, #tpu.memory_space<semaphore_mem>>
      %dma_start3A_555 = tpu.memref_squeeze %dma_start3A_554 : memref<1x!tpu.dma_semaphore, #tpu.memory_space<semaphore_mem>> -> memref<!tpu.dma_semaphore, #tpu.memory_space<semaphore_mem>>
      %dma_start3A_556 = arith.constant 0 : i32
      %dma_start3A_557 = arith.constant 0 : i32
      %dma_start3A_558 = tpu.memref_slice %arg5[%add3A_543, %dma_start3A_556, %dma_start3A_557] : memref<4096x50x64xf32, #tpu.memory_space<hbm>> -> memref<2x50x64xf32, #tpu.memory_space<hbm>>
      %dma_start3A_559 = arith.constant 0 : i32
      %dma_start3A_560 = arith.constant 0 : i32
      %dma_start3A_561 = arith.constant 0 : i32
      %dma_start3A_562 = tpu.memref_slice %arg8[%dma_start3A_544, %dma_start3A_559, %dma_start3A_560, %dma_start3A_561] : memref<4x2x50x64xf32, #tpu.memory_space<vmem>> -> memref<1x2x50x64xf32, #tpu.memory_space<vmem>>
      %dma_start3A_563 = tpu.memref_squeeze %dma_start3A_562 : memref<1x2x50x64xf32, #tpu.memory_space<vmem>> -> memref<2x50x64xf32, #tpu.memory_space<vmem>>
      tpu.enqueue_dma source(%dma_start3A_563 : memref<2x50x64xf32, #tpu.memory_space<vmem>>) target(%dma_start3A_558 : memref<2x50x64xf32, #tpu.memory_space<hbm>>) target_semaphore(%dma_start3A_555 : memref<!tpu.dma_semaphore, #tpu.memory_space<semaphore_mem>>)
      %dma_start3A_564 = arith.constant 2 : i32
      %dma_start3A_565 = arith.constant 2 : i32
      %dma_start3A_566 = arith.constant 0 : i32
      %dma_start3A_567 = arith.constant 0 : i32
      %dma_start3A_568 = arith.constant 0 : i32
      %dma_start3A_569 = tpu.memref_slice %arg9[%dma_start3A_564, %dma_start3A_566, %dma_start3A_567, %dma_start3A_568] : memref<4x2x50x64xf32, #tpu.memory_space<vmem>> -> memref<1x2x50x64xf32, #tpu.memory_space<vmem>>
      %dma_start3A_570 = tpu.memref_squeeze %dma_start3A_569 : memref<1x2x50x64xf32, #tpu.memory_space<vmem>> -> memref<2x50x64xf32, #tpu.memory_space<vmem>>
      %dma_start3A_571 = arith.constant 0 : i32
      %dma_start3A_572 = arith.constant 0 : i32
      %dma_start3A_573 = tpu.memref_slice %arg6[%add3A_543, %dma_start3A_571, %dma_start3A_572] : memref<4096x50x64xf32, #tpu.memory_space<hbm>> -> memref<2x50x64xf32, #tpu.memory_space<hbm>>
      %dma_start3A_574 = tpu.memref_slice %arg13[%dma_start3A_565] : memref<4x!tpu.dma_semaphore, #tpu.memory_space<semaphore_mem>> -> memref<1x!tpu.dma_semaphore, #tpu.memory_space<semaphore_mem>>
      %dma_start3A_575 = tpu.memref_squeeze %dma_start3A_574 : memref<1x!tpu.dma_semaphore, #tpu.memory_space<semaphore_mem>> -> memref<!tpu.dma_semaphore, #tpu.memory_space<semaphore_mem>>
      %dma_start3A_576 = arith.constant 0 : i32
      %dma_start3A_577 = arith.constant 0 : i32
      %dma_start3A_578 = tpu.memref_slice %arg6[%add3A_543, %dma_start3A_576, %dma_start3A_577] : memref<4096x50x64xf32, #tpu.memory_space<hbm>> -> memref<2x50x64xf32, #tpu.memory_space<hbm>>
      %dma_start3A_579 = arith.constant 0 : i32
      %dma_start3A_580 = arith.constant 0 : i32
      %dma_start3A_581 = arith.constant 0 : i32
      %dma_start3A_582 = tpu.memref_slice %arg9[%dma_start3A_564, %dma_start3A_579, %dma_start3A_580, %dma_start3A_581] : memref<4x2x50x64xf32, #tpu.memory_space<vmem>> -> memref<1x2x50x64xf32, #tpu.memory_space<vmem>>
      %dma_start3A_583 = tpu.memref_squeeze %dma_start3A_582 : memref<1x2x50x64xf32, #tpu.memory_space<vmem>> -> memref<2x50x64xf32, #tpu.memory_space<vmem>>
      tpu.enqueue_dma source(%dma_start3A_583 : memref<2x50x64xf32, #tpu.memory_space<vmem>>) target(%dma_start3A_578 : memref<2x50x64xf32, #tpu.memory_space<hbm>>) target_semaphore(%dma_start3A_575 : memref<!tpu.dma_semaphore, #tpu.memory_space<semaphore_mem>>)
      %add3A_584 = arith.constant 2 : i32
      %add3A_585 = arith.addi %add3A_472, %add3A_584 : i32
      %ge3A_586 = arith.constant 4 : i32
      %ge3A_587 = arith.cmpi sge, %add3A_585, %ge3A_586 : i32
      %convert_element_type3A_588 = arith.extui %ge3A_587 : i1 to i32
      %cond3A_589 = arith.constant 0 : i32
      %cond3A_590 = arith.cmpi ne, %convert_element_type3A_588, %cond3A_589 : i32
      scf.if %cond3A_590 {
        %sub3A = arith.constant 4 : i32
        %sub3A_723 = arith.subi %add3A_585, %sub3A : i32
        %mul3A_724 = arith.constant 2 : i32
        %mul3A_725 = arith.muli %mul3A_724, %sub3A_723 : i32
        %add3A_726 = arith.addi %mul3A_2, %mul3A_725 : i32
        %dma_wait3A_727 = arith.constant 0 : i32
        %dma_wait3A_728 = arith.constant 0 : i32
        %dma_wait3A_729 = arith.constant 0 : i32
        %dma_wait3A_730 = arith.constant 0 : i32
        %dma_wait3A_731 = arith.constant 0 : i32
        %dma_wait3A_732 = tpu.memref_slice %arg8[%dma_wait3A_727, %dma_wait3A_729, %dma_wait3A_730, %dma_wait3A_731] : memref<4x2x50x64xf32, #tpu.memory_space<vmem>> -> memref<1x2x50x64xf32, #tpu.memory_space<vmem>>
        %dma_wait3A_733 = tpu.memref_squeeze %dma_wait3A_732 : memref<1x2x50x64xf32, #tpu.memory_space<vmem>> -> memref<2x50x64xf32, #tpu.memory_space<vmem>>
        %dma_wait3A_734 = arith.constant 0 : i32
        %dma_wait3A_735 = arith.constant 0 : i32
        %dma_wait3A_736 = tpu.memref_slice %arg5[%add3A_726, %dma_wait3A_734, %dma_wait3A_735] : memref<4096x50x64xf32, #tpu.memory_space<hbm>> -> memref<2x50x64xf32, #tpu.memory_space<hbm>>
        %dma_wait3A_737 = tpu.memref_slice %arg12[%dma_wait3A_728] : memref<4x!tpu.dma_semaphore, #tpu.memory_space<semaphore_mem>> -> memref<1x!tpu.dma_semaphore, #tpu.memory_space<semaphore_mem>>
        %dma_wait3A_738 = tpu.memref_squeeze %dma_wait3A_737 : memref<1x!tpu.dma_semaphore, #tpu.memory_space<semaphore_mem>> -> memref<!tpu.dma_semaphore, #tpu.memory_space<semaphore_mem>>
        %dma_wait3A_739 = arith.constant 0 : i32
        %dma_wait3A_740 = arith.constant 0 : i32
        %dma_wait3A_741 = tpu.memref_slice %arg5[%add3A_726, %dma_wait3A_739, %dma_wait3A_740] : memref<4096x50x64xf32, #tpu.memory_space<hbm>> -> memref<2x50x64xf32, #tpu.memory_space<hbm>>
        %dma_wait3A_742 = arith.constant 0 : i32
        %dma_wait3A_743 = arith.constant 0 : i32
        %dma_wait3A_744 = arith.constant 0 : i32
        %dma_wait3A_745 = tpu.memref_slice %arg8[%dma_wait3A_727, %dma_wait3A_742, %dma_wait3A_743, %dma_wait3A_744] : memref<4x2x50x64xf32, #tpu.memory_space<vmem>> -> memref<1x2x50x64xf32, #tpu.memory_space<vmem>>
        %dma_wait3A_746 = tpu.memref_squeeze %dma_wait3A_745 : memref<1x2x50x64xf32, #tpu.memory_space<vmem>> -> memref<2x50x64xf32, #tpu.memory_space<vmem>>
        tpu.wait_dma2 semaphore(%dma_wait3A_738 : memref<!tpu.dma_semaphore, #tpu.memory_space<semaphore_mem>>) src(%dma_wait3A_746 : memref<2x50x64xf32, #tpu.memory_space<vmem>>) dst(%dma_wait3A_741 : memref<2x50x64xf32, #tpu.memory_space<hbm>>)
        %dma_wait3A_747 = arith.constant 0 : i32
        %dma_wait3A_748 = arith.constant 0 : i32
        %dma_wait3A_749 = arith.constant 0 : i32
        %dma_wait3A_750 = arith.constant 0 : i32
        %dma_wait3A_751 = arith.constant 0 : i32
        %dma_wait3A_752 = tpu.memref_slice %arg9[%dma_wait3A_747, %dma_wait3A_749, %dma_wait3A_750, %dma_wait3A_751] : memref<4x2x50x64xf32, #tpu.memory_space<vmem>> -> memref<1x2x50x64xf32, #tpu.memory_space<vmem>>
        %dma_wait3A_753 = tpu.memref_squeeze %dma_wait3A_752 : memref<1x2x50x64xf32, #tpu.memory_space<vmem>> -> memref<2x50x64xf32, #tpu.memory_space<vmem>>
        %dma_wait3A_754 = arith.constant 0 : i32
        %dma_wait3A_755 = arith.constant 0 : i32
        %dma_wait3A_756 = tpu.memref_slice %arg6[%add3A_726, %dma_wait3A_754, %dma_wait3A_755] : memref<4096x50x64xf32, #tpu.memory_space<hbm>> -> memref<2x50x64xf32, #tpu.memory_space<hbm>>
        %dma_wait3A_757 = tpu.memref_slice %arg13[%dma_wait3A_748] : memref<4x!tpu.dma_semaphore, #tpu.memory_space<semaphore_mem>> -> memref<1x!tpu.dma_semaphore, #tpu.memory_space<semaphore_mem>>
        %dma_wait3A_758 = tpu.memref_squeeze %dma_wait3A_757 : memref<1x!tpu.dma_semaphore, #tpu.memory_space<semaphore_mem>> -> memref<!tpu.dma_semaphore, #tpu.memory_space<semaphore_mem>>
        %dma_wait3A_759 = arith.constant 0 : i32
        %dma_wait3A_760 = arith.constant 0 : i32
        %dma_wait3A_761 = tpu.memref_slice %arg6[%add3A_726, %dma_wait3A_759, %dma_wait3A_760] : memref<4096x50x64xf32, #tpu.memory_space<hbm>> -> memref<2x50x64xf32, #tpu.memory_space<hbm>>
        %dma_wait3A_762 = arith.constant 0 : i32
        %dma_wait3A_763 = arith.constant 0 : i32
        %dma_wait3A_764 = arith.constant 0 : i32
        %dma_wait3A_765 = tpu.memref_slice %arg9[%dma_wait3A_747, %dma_wait3A_762, %dma_wait3A_763, %dma_wait3A_764] : memref<4x2x50x64xf32, #tpu.memory_space<vmem>> -> memref<1x2x50x64xf32, #tpu.memory_space<vmem>>
        %dma_wait3A_766 = tpu.memref_squeeze %dma_wait3A_765 : memref<1x2x50x64xf32, #tpu.memory_space<vmem>> -> memref<2x50x64xf32, #tpu.memory_space<vmem>>
        tpu.wait_dma2 semaphore(%dma_wait3A_758 : memref<!tpu.dma_semaphore, #tpu.memory_space<semaphore_mem>>) src(%dma_wait3A_766 : memref<2x50x64xf32, #tpu.memory_space<vmem>>) dst(%dma_wait3A_761 : memref<2x50x64xf32, #tpu.memory_space<hbm>>)
      } else {
      }
      %lt3A_591 = arith.constant 64 : i32
      %lt3A_592 = arith.cmpi slt, %add3A_585, %lt3A_591 : i32
      %convert_element_type3A_593 = arith.extui %lt3A_592 : i1 to i32
      %cond3A_594 = arith.constant 0 : i32
      %cond3A_595 = arith.cmpi ne, %convert_element_type3A_593, %cond3A_594 : i32
      scf.if %cond3A_595 {
        %mul3A_723 = arith.constant 2 : i32
        %mul3A_724 = arith.muli %mul3A_723, %add3A_585 : i32
        %add3A_725 = arith.constant 0 : i32
        %add3A_726 = arith.addi %mul3A_724, %add3A_725 : i32
        %mul3A_727 = arith.constant 2 : i32
        %mul3A_728 = arith.muli %mul3A_727, %add3A_585 : i32
        %add3A_729 = arith.constant 1 : i32
        %add3A_730 = arith.addi %mul3A_728, %add3A_729 : i32
        %dma_start3A_731 = arith.constant 0 : i32
        %dma_start3A_732 = arith.constant 0 : i32
        %dma_start3A_733 = arith.constant 0 : i32
        %dma_start3A_734 = arith.constant 0 : i32
        %dma_start3A_735 = arith.constant 0 : i32
        %dma_start3A_736 = tpu.memref_slice %arg8[%dma_start3A_731, %dma_start3A_732, %dma_start3A_734, %dma_start3A_735] : memref<4x2x50x64xf32, #tpu.memory_space<vmem>> -> memref<1x1x50x64xf32, #tpu.memory_space<vmem>>
        %dma_start3A_737 = tpu.memref_squeeze %dma_start3A_736 : memref<1x1x50x64xf32, #tpu.memory_space<vmem>> -> memref<50x64xf32, #tpu.memory_space<vmem>>
        %dma_start3A_738 = arith.constant 0 : i32
        %dma_start3A_739 = tpu.memref_slice %arg7[%add3A_726, %dma_start3A_738] : memref<128x50xi32, #tpu.memory_space<vmem>> -> memref<1x50xi32, #tpu.memory_space<vmem>>
        %dma_start3A_740 = tpu.memref_squeeze %dma_start3A_739 : memref<1x50xi32, #tpu.memory_space<vmem>> -> memref<50xi32, #tpu.memory_space<vmem>>
        %dma_start3A_741 = arith.constant 0 : i32
        %dma_start3A_742 = arith.constant 0 : i32
        %dma_start3A_743 = tpu.memref_slice %arg3[%dma_start3A_741, %dma_start3A_742] : memref<100000x64xf32, #tpu.memory_space<hbm>> -> memref<100000x64xf32, #tpu.memory_space<hbm>>
        %dma_start3A_744 = tpu.memref_slice %arg10[%dma_start3A_733] : memref<4x!tpu.dma_semaphore, #tpu.memory_space<semaphore_mem>> -> memref<1x!tpu.dma_semaphore, #tpu.memory_space<semaphore_mem>>
        %dma_start3A_745 = tpu.memref_squeeze %dma_start3A_744 : memref<1x!tpu.dma_semaphore, #tpu.memory_space<semaphore_mem>> -> memref<!tpu.dma_semaphore, #tpu.memory_space<semaphore_mem>>
        tpu.enqueue_indirect_dma source(%dma_start3A_743 : memref<100000x64xf32, #tpu.memory_space<hbm>>) target(%dma_start3A_737 : memref<50x64xf32, #tpu.memory_space<vmem>>) offsets(%dma_start3A_740 : memref<50xi32, #tpu.memory_space<vmem>>) semaphore(%dma_start3A_745 : memref<!tpu.dma_semaphore, #tpu.memory_space<semaphore_mem>>)
        %dma_start3A_746 = arith.constant 0 : i32
        %dma_start3A_747 = arith.constant 0 : i32
        %dma_start3A_748 = arith.constant 0 : i32
        %dma_start3A_749 = arith.constant 0 : i32
        %dma_start3A_750 = arith.constant 0 : i32
        %dma_start3A_751 = tpu.memref_slice %arg9[%dma_start3A_746, %dma_start3A_747, %dma_start3A_749, %dma_start3A_750] : memref<4x2x50x64xf32, #tpu.memory_space<vmem>> -> memref<1x1x50x64xf32, #tpu.memory_space<vmem>>
        %dma_start3A_752 = tpu.memref_squeeze %dma_start3A_751 : memref<1x1x50x64xf32, #tpu.memory_space<vmem>> -> memref<50x64xf32, #tpu.memory_space<vmem>>
        %dma_start3A_753 = arith.constant 0 : i32
        %dma_start3A_754 = tpu.memref_slice %arg7[%add3A_726, %dma_start3A_753] : memref<128x50xi32, #tpu.memory_space<vmem>> -> memref<1x50xi32, #tpu.memory_space<vmem>>
        %dma_start3A_755 = tpu.memref_squeeze %dma_start3A_754 : memref<1x50xi32, #tpu.memory_space<vmem>> -> memref<50xi32, #tpu.memory_space<vmem>>
        %dma_start3A_756 = arith.constant 0 : i32
        %dma_start3A_757 = arith.constant 0 : i32
        %dma_start3A_758 = tpu.memref_slice %arg4[%dma_start3A_756, %dma_start3A_757] : memref<100000x64xf32, #tpu.memory_space<hbm>> -> memref<100000x64xf32, #tpu.memory_space<hbm>>
        %dma_start3A_759 = tpu.memref_slice %arg11[%dma_start3A_748] : memref<4x!tpu.dma_semaphore, #tpu.memory_space<semaphore_mem>> -> memref<1x!tpu.dma_semaphore, #tpu.memory_space<semaphore_mem>>
        %dma_start3A_760 = tpu.memref_squeeze %dma_start3A_759 : memref<1x!tpu.dma_semaphore, #tpu.memory_space<semaphore_mem>> -> memref<!tpu.dma_semaphore, #tpu.memory_space<semaphore_mem>>
        tpu.enqueue_indirect_dma source(%dma_start3A_758 : memref<100000x64xf32, #tpu.memory_space<hbm>>) target(%dma_start3A_752 : memref<50x64xf32, #tpu.memory_space<vmem>>) offsets(%dma_start3A_755 : memref<50xi32, #tpu.memory_space<vmem>>) semaphore(%dma_start3A_760 : memref<!tpu.dma_semaphore, #tpu.memory_space<semaphore_mem>>)
        %dma_start3A_761 = arith.constant 0 : i32
        %dma_start3A_762 = arith.constant 1 : i32
        %dma_start3A_763 = arith.constant 0 : i32
        %dma_start3A_764 = arith.constant 0 : i32
        %dma_start3A_765 = arith.constant 0 : i32
        %dma_start3A_766 = tpu.memref_slice %arg8[%dma_start3A_761, %dma_start3A_762, %dma_start3A_764, %dma_start3A_765] : memref<4x2x50x64xf32, #tpu.memory_space<vmem>> -> memref<1x1x50x64xf32, #tpu.memory_space<vmem>>
        %dma_start3A_767 = tpu.memref_squeeze %dma_start3A_766 : memref<1x1x50x64xf32, #tpu.memory_space<vmem>> -> memref<50x64xf32, #tpu.memory_space<vmem>>
        %dma_start3A_768 = arith.constant 0 : i32
        %dma_start3A_769 = tpu.memref_slice %arg7[%add3A_730, %dma_start3A_768] : memref<128x50xi32, #tpu.memory_space<vmem>> -> memref<1x50xi32, #tpu.memory_space<vmem>>
        %dma_start3A_770 = tpu.memref_squeeze %dma_start3A_769 : memref<1x50xi32, #tpu.memory_space<vmem>> -> memref<50xi32, #tpu.memory_space<vmem>>
        %dma_start3A_771 = arith.constant 0 : i32
        %dma_start3A_772 = arith.constant 0 : i32
        %dma_start3A_773 = tpu.memref_slice %arg3[%dma_start3A_771, %dma_start3A_772] : memref<100000x64xf32, #tpu.memory_space<hbm>> -> memref<100000x64xf32, #tpu.memory_space<hbm>>
        %dma_start3A_774 = tpu.memref_slice %arg10[%dma_start3A_763] : memref<4x!tpu.dma_semaphore, #tpu.memory_space<semaphore_mem>> -> memref<1x!tpu.dma_semaphore, #tpu.memory_space<semaphore_mem>>
        %dma_start3A_775 = tpu.memref_squeeze %dma_start3A_774 : memref<1x!tpu.dma_semaphore, #tpu.memory_space<semaphore_mem>> -> memref<!tpu.dma_semaphore, #tpu.memory_space<semaphore_mem>>
        tpu.enqueue_indirect_dma source(%dma_start3A_773 : memref<100000x64xf32, #tpu.memory_space<hbm>>) target(%dma_start3A_767 : memref<50x64xf32, #tpu.memory_space<vmem>>) offsets(%dma_start3A_770 : memref<50xi32, #tpu.memory_space<vmem>>) semaphore(%dma_start3A_775 : memref<!tpu.dma_semaphore, #tpu.memory_space<semaphore_mem>>)
        %dma_start3A_776 = arith.constant 0 : i32
        %dma_start3A_777 = arith.constant 1 : i32
        %dma_start3A_778 = arith.constant 0 : i32
        %dma_start3A_779 = arith.constant 0 : i32
        %dma_start3A_780 = arith.constant 0 : i32
        %dma_start3A_781 = tpu.memref_slice %arg9[%dma_start3A_776, %dma_start3A_777, %dma_start3A_779, %dma_start3A_780] : memref<4x2x50x64xf32, #tpu.memory_space<vmem>> -> memref<1x1x50x64xf32, #tpu.memory_space<vmem>>
        %dma_start3A_782 = tpu.memref_squeeze %dma_start3A_781 : memref<1x1x50x64xf32, #tpu.memory_space<vmem>> -> memref<50x64xf32, #tpu.memory_space<vmem>>
        %dma_start3A_783 = arith.constant 0 : i32
        %dma_start3A_784 = tpu.memref_slice %arg7[%add3A_730, %dma_start3A_783] : memref<128x50xi32, #tpu.memory_space<vmem>> -> memref<1x50xi32, #tpu.memory_space<vmem>>
        %dma_start3A_785 = tpu.memref_squeeze %dma_start3A_784 : memref<1x50xi32, #tpu.memory_space<vmem>> -> memref<50xi32, #tpu.memory_space<vmem>>
        %dma_start3A_786 = arith.constant 0 : i32
        %dma_start3A_787 = arith.constant 0 : i32
        %dma_start3A_788 = tpu.memref_slice %arg4[%dma_start3A_786, %dma_start3A_787] : memref<100000x64xf32, #tpu.memory_space<hbm>> -> memref<100000x64xf32, #tpu.memory_space<hbm>>
        %dma_start3A_789 = tpu.memref_slice %arg11[%dma_start3A_778] : memref<4x!tpu.dma_semaphore, #tpu.memory_space<semaphore_mem>> -> memref<1x!tpu.dma_semaphore, #tpu.memory_space<semaphore_mem>>
        %dma_start3A_790 = tpu.memref_squeeze %dma_start3A_789 : memref<1x!tpu.dma_semaphore, #tpu.memory_space<semaphore_mem>> -> memref<!tpu.dma_semaphore, #tpu.memory_space<semaphore_mem>>
        tpu.enqueue_indirect_dma source(%dma_start3A_788 : memref<100000x64xf32, #tpu.memory_space<hbm>>) target(%dma_start3A_782 : memref<50x64xf32, #tpu.memory_space<vmem>>) offsets(%dma_start3A_785 : memref<50xi32, #tpu.memory_space<vmem>>) semaphore(%dma_start3A_790 : memref<!tpu.dma_semaphore, #tpu.memory_space<semaphore_mem>>)
      } else {
      }
      %mul3A_596 = arith.constant 4 : i32
      %mul3A_597 = arith.muli %scan3A_218, %mul3A_596 : i32
      %add3A_598 = arith.constant 3 : i32
      %add3A_599 = arith.addi %mul3A_597, %add3A_598 : i32
      %mul3A_600 = arith.constant 2 : i32
      %mul3A_601 = arith.muli %mul3A_600, %add3A_599 : i32
      %add3A_602 = arith.constant 0 : i32
      %add3A_603 = arith.addi %mul3A_601, %add3A_602 : i32
      %mul3A_604 = arith.constant 2 : i32
      %mul3A_605 = arith.muli %mul3A_604, %add3A_599 : i32
      %add3A_606 = arith.constant 1 : i32
      %add3A_607 = arith.addi %mul3A_605, %add3A_606 : i32
      %dma_wait3A_608 = arith.constant 3 : i32
      %dma_wait3A_609 = arith.constant 0 : i32
      %dma_wait3A_610 = arith.constant 3 : i32
      %dma_wait3A_611 = arith.constant 0 : i32
      %dma_wait3A_612 = arith.constant 0 : i32
      %dma_wait3A_613 = tpu.memref_slice %arg8[%dma_wait3A_608, %dma_wait3A_609, %dma_wait3A_611, %dma_wait3A_612] : memref<4x2x50x64xf32, #tpu.memory_space<vmem>> -> memref<1x1x50x64xf32, #tpu.memory_space<vmem>>
      %dma_wait3A_614 = tpu.memref_squeeze %dma_wait3A_613 : memref<1x1x50x64xf32, #tpu.memory_space<vmem>> -> memref<50x64xf32, #tpu.memory_space<vmem>>
      %dma_wait3A_615 = arith.constant 0 : i32
      %dma_wait3A_616 = tpu.memref_slice %arg7[%add3A_603, %dma_wait3A_615] : memref<128x50xi32, #tpu.memory_space<vmem>> -> memref<1x50xi32, #tpu.memory_space<vmem>>
      %dma_wait3A_617 = tpu.memref_squeeze %dma_wait3A_616 : memref<1x50xi32, #tpu.memory_space<vmem>> -> memref<50xi32, #tpu.memory_space<vmem>>
      %dma_wait3A_618 = arith.constant 0 : i32
      %dma_wait3A_619 = arith.constant 0 : i32
      %dma_wait3A_620 = tpu.memref_slice %arg3[%dma_wait3A_618, %dma_wait3A_619] : memref<100000x64xf32, #tpu.memory_space<hbm>> -> memref<100000x64xf32, #tpu.memory_space<hbm>>
      %dma_wait3A_621 = tpu.memref_slice %arg10[%dma_wait3A_610] : memref<4x!tpu.dma_semaphore, #tpu.memory_space<semaphore_mem>> -> memref<1x!tpu.dma_semaphore, #tpu.memory_space<semaphore_mem>>
      %dma_wait3A_622 = tpu.memref_squeeze %dma_wait3A_621 : memref<1x!tpu.dma_semaphore, #tpu.memory_space<semaphore_mem>> -> memref<!tpu.dma_semaphore, #tpu.memory_space<semaphore_mem>>
      tpu.wait_indirect_dma semaphore(%dma_wait3A_622 : memref<!tpu.dma_semaphore, #tpu.memory_space<semaphore_mem>>) src(%dma_wait3A_620 : memref<100000x64xf32, #tpu.memory_space<hbm>>) dst(%dma_wait3A_614 : memref<50x64xf32, #tpu.memory_space<vmem>>)
      %dma_wait3A_623 = arith.constant 3 : i32
      %dma_wait3A_624 = arith.constant 0 : i32
      %dma_wait3A_625 = arith.constant 3 : i32
      %dma_wait3A_626 = arith.constant 0 : i32
      %dma_wait3A_627 = arith.constant 0 : i32
      %dma_wait3A_628 = tpu.memref_slice %arg9[%dma_wait3A_623, %dma_wait3A_624, %dma_wait3A_626, %dma_wait3A_627] : memref<4x2x50x64xf32, #tpu.memory_space<vmem>> -> memref<1x1x50x64xf32, #tpu.memory_space<vmem>>
      %dma_wait3A_629 = tpu.memref_squeeze %dma_wait3A_628 : memref<1x1x50x64xf32, #tpu.memory_space<vmem>> -> memref<50x64xf32, #tpu.memory_space<vmem>>
      %dma_wait3A_630 = arith.constant 0 : i32
      %dma_wait3A_631 = tpu.memref_slice %arg7[%add3A_603, %dma_wait3A_630] : memref<128x50xi32, #tpu.memory_space<vmem>> -> memref<1x50xi32, #tpu.memory_space<vmem>>
      %dma_wait3A_632 = tpu.memref_squeeze %dma_wait3A_631 : memref<1x50xi32, #tpu.memory_space<vmem>> -> memref<50xi32, #tpu.memory_space<vmem>>
      %dma_wait3A_633 = arith.constant 0 : i32
      %dma_wait3A_634 = arith.constant 0 : i32
      %dma_wait3A_635 = tpu.memref_slice %arg4[%dma_wait3A_633, %dma_wait3A_634] : memref<100000x64xf32, #tpu.memory_space<hbm>> -> memref<100000x64xf32, #tpu.memory_space<hbm>>
      %dma_wait3A_636 = tpu.memref_slice %arg11[%dma_wait3A_625] : memref<4x!tpu.dma_semaphore, #tpu.memory_space<semaphore_mem>> -> memref<1x!tpu.dma_semaphore, #tpu.memory_space<semaphore_mem>>
      %dma_wait3A_637 = tpu.memref_squeeze %dma_wait3A_636 : memref<1x!tpu.dma_semaphore, #tpu.memory_space<semaphore_mem>> -> memref<!tpu.dma_semaphore, #tpu.memory_space<semaphore_mem>>
      tpu.wait_indirect_dma semaphore(%dma_wait3A_637 : memref<!tpu.dma_semaphore, #tpu.memory_space<semaphore_mem>>) src(%dma_wait3A_635 : memref<100000x64xf32, #tpu.memory_space<hbm>>) dst(%dma_wait3A_629 : memref<50x64xf32, #tpu.memory_space<vmem>>)
      %dma_wait3A_638 = arith.constant 3 : i32
      %dma_wait3A_639 = arith.constant 1 : i32
      %dma_wait3A_640 = arith.constant 3 : i32
      %dma_wait3A_641 = arith.constant 0 : i32
      %dma_wait3A_642 = arith.constant 0 : i32
      %dma_wait3A_643 = tpu.memref_slice %arg8[%dma_wait3A_638, %dma_wait3A_639, %dma_wait3A_641, %dma_wait3A_642] : memref<4x2x50x64xf32, #tpu.memory_space<vmem>> -> memref<1x1x50x64xf32, #tpu.memory_space<vmem>>
      %dma_wait3A_644 = tpu.memref_squeeze %dma_wait3A_643 : memref<1x1x50x64xf32, #tpu.memory_space<vmem>> -> memref<50x64xf32, #tpu.memory_space<vmem>>
      %dma_wait3A_645 = arith.constant 0 : i32
      %dma_wait3A_646 = tpu.memref_slice %arg7[%add3A_607, %dma_wait3A_645] : memref<128x50xi32, #tpu.memory_space<vmem>> -> memref<1x50xi32, #tpu.memory_space<vmem>>
      %dma_wait3A_647 = tpu.memref_squeeze %dma_wait3A_646 : memref<1x50xi32, #tpu.memory_space<vmem>> -> memref<50xi32, #tpu.memory_space<vmem>>
      %dma_wait3A_648 = arith.constant 0 : i32
      %dma_wait3A_649 = arith.constant 0 : i32
      %dma_wait3A_650 = tpu.memref_slice %arg3[%dma_wait3A_648, %dma_wait3A_649] : memref<100000x64xf32, #tpu.memory_space<hbm>> -> memref<100000x64xf32, #tpu.memory_space<hbm>>
      %dma_wait3A_651 = tpu.memref_slice %arg10[%dma_wait3A_640] : memref<4x!tpu.dma_semaphore, #tpu.memory_space<semaphore_mem>> -> memref<1x!tpu.dma_semaphore, #tpu.memory_space<semaphore_mem>>
      %dma_wait3A_652 = tpu.memref_squeeze %dma_wait3A_651 : memref<1x!tpu.dma_semaphore, #tpu.memory_space<semaphore_mem>> -> memref<!tpu.dma_semaphore, #tpu.memory_space<semaphore_mem>>
      tpu.wait_indirect_dma semaphore(%dma_wait3A_652 : memref<!tpu.dma_semaphore, #tpu.memory_space<semaphore_mem>>) src(%dma_wait3A_650 : memref<100000x64xf32, #tpu.memory_space<hbm>>) dst(%dma_wait3A_644 : memref<50x64xf32, #tpu.memory_space<vmem>>)
      %dma_wait3A_653 = arith.constant 3 : i32
      %dma_wait3A_654 = arith.constant 1 : i32
      %dma_wait3A_655 = arith.constant 3 : i32
      %dma_wait3A_656 = arith.constant 0 : i32
      %dma_wait3A_657 = arith.constant 0 : i32
      %dma_wait3A_658 = tpu.memref_slice %arg9[%dma_wait3A_653, %dma_wait3A_654, %dma_wait3A_656, %dma_wait3A_657] : memref<4x2x50x64xf32, #tpu.memory_space<vmem>> -> memref<1x1x50x64xf32, #tpu.memory_space<vmem>>
      %dma_wait3A_659 = tpu.memref_squeeze %dma_wait3A_658 : memref<1x1x50x64xf32, #tpu.memory_space<vmem>> -> memref<50x64xf32, #tpu.memory_space<vmem>>
      %dma_wait3A_660 = arith.constant 0 : i32
      %dma_wait3A_661 = tpu.memref_slice %arg7[%add3A_607, %dma_wait3A_660] : memref<128x50xi32, #tpu.memory_space<vmem>> -> memref<1x50xi32, #tpu.memory_space<vmem>>
      %dma_wait3A_662 = tpu.memref_squeeze %dma_wait3A_661 : memref<1x50xi32, #tpu.memory_space<vmem>> -> memref<50xi32, #tpu.memory_space<vmem>>
      %dma_wait3A_663 = arith.constant 0 : i32
      %dma_wait3A_664 = arith.constant 0 : i32
      %dma_wait3A_665 = tpu.memref_slice %arg4[%dma_wait3A_663, %dma_wait3A_664] : memref<100000x64xf32, #tpu.memory_space<hbm>> -> memref<100000x64xf32, #tpu.memory_space<hbm>>
      %dma_wait3A_666 = tpu.memref_slice %arg11[%dma_wait3A_655] : memref<4x!tpu.dma_semaphore, #tpu.memory_space<semaphore_mem>> -> memref<1x!tpu.dma_semaphore, #tpu.memory_space<semaphore_mem>>
      %dma_wait3A_667 = tpu.memref_squeeze %dma_wait3A_666 : memref<1x!tpu.dma_semaphore, #tpu.memory_space<semaphore_mem>> -> memref<!tpu.dma_semaphore, #tpu.memory_space<semaphore_mem>>
      tpu.wait_indirect_dma semaphore(%dma_wait3A_667 : memref<!tpu.dma_semaphore, #tpu.memory_space<semaphore_mem>>) src(%dma_wait3A_665 : memref<100000x64xf32, #tpu.memory_space<hbm>>) dst(%dma_wait3A_659 : memref<50x64xf32, #tpu.memory_space<vmem>>)
      %mul3A_668 = arith.constant 2 : i32
      %mul3A_669 = arith.muli %mul3A_668, %add3A_599 : i32
      %add3A_670 = arith.addi %mul3A_2, %mul3A_669 : i32
      %dma_start3A_671 = arith.constant 3 : i32
      %dma_start3A_672 = arith.constant 3 : i32
      %dma_start3A_673 = arith.constant 0 : i32
      %dma_start3A_674 = arith.constant 0 : i32
      %dma_start3A_675 = arith.constant 0 : i32
      %dma_start3A_676 = tpu.memref_slice %arg8[%dma_start3A_671, %dma_start3A_673, %dma_start3A_674, %dma_start3A_675] : memref<4x2x50x64xf32, #tpu.memory_space<vmem>> -> memref<1x2x50x64xf32, #tpu.memory_space<vmem>>
      %dma_start3A_677 = tpu.memref_squeeze %dma_start3A_676 : memref<1x2x50x64xf32, #tpu.memory_space<vmem>> -> memref<2x50x64xf32, #tpu.memory_space<vmem>>
      %dma_start3A_678 = arith.constant 0 : i32
      %dma_start3A_679 = arith.constant 0 : i32
      %dma_start3A_680 = tpu.memref_slice %arg5[%add3A_670, %dma_start3A_678, %dma_start3A_679] : memref<4096x50x64xf32, #tpu.memory_space<hbm>> -> memref<2x50x64xf32, #tpu.memory_space<hbm>>
      %dma_start3A_681 = tpu.memref_slice %arg12[%dma_start3A_672] : memref<4x!tpu.dma_semaphore, #tpu.memory_space<semaphore_mem>> -> memref<1x!tpu.dma_semaphore, #tpu.memory_space<semaphore_mem>>
      %dma_start3A_682 = tpu.memref_squeeze %dma_start3A_681 : memref<1x!tpu.dma_semaphore, #tpu.memory_space<semaphore_mem>> -> memref<!tpu.dma_semaphore, #tpu.memory_space<semaphore_mem>>
      %dma_start3A_683 = arith.constant 0 : i32
      %dma_start3A_684 = arith.constant 0 : i32
      %dma_start3A_685 = tpu.memref_slice %arg5[%add3A_670, %dma_start3A_683, %dma_start3A_684] : memref<4096x50x64xf32, #tpu.memory_space<hbm>> -> memref<2x50x64xf32, #tpu.memory_space<hbm>>
      %dma_start3A_686 = arith.constant 0 : i32
      %dma_start3A_687 = arith.constant 0 : i32
      %dma_start3A_688 = arith.constant 0 : i32
      %dma_start3A_689 = tpu.memref_slice %arg8[%dma_start3A_671, %dma_start3A_686, %dma_start3A_687, %dma_start3A_688] : memref<4x2x50x64xf32, #tpu.memory_space<vmem>> -> memref<1x2x50x64xf32, #tpu.memory_space<vmem>>
      %dma_start3A_690 = tpu.memref_squeeze %dma_start3A_689 : memref<1x2x50x64xf32, #tpu.memory_space<vmem>> -> memref<2x50x64xf32, #tpu.memory_space<vmem>>
      tpu.enqueue_dma source(%dma_start3A_690 : memref<2x50x64xf32, #tpu.memory_space<vmem>>) target(%dma_start3A_685 : memref<2x50x64xf32, #tpu.memory_space<hbm>>) target_semaphore(%dma_start3A_682 : memref<!tpu.dma_semaphore, #tpu.memory_space<semaphore_mem>>)
      %dma_start3A_691 = arith.constant 3 : i32
      %dma_start3A_692 = arith.constant 3 : i32
      %dma_start3A_693 = arith.constant 0 : i32
      %dma_start3A_694 = arith.constant 0 : i32
      %dma_start3A_695 = arith.constant 0 : i32
      %dma_start3A_696 = tpu.memref_slice %arg9[%dma_start3A_691, %dma_start3A_693, %dma_start3A_694, %dma_start3A_695] : memref<4x2x50x64xf32, #tpu.memory_space<vmem>> -> memref<1x2x50x64xf32, #tpu.memory_space<vmem>>
      %dma_start3A_697 = tpu.memref_squeeze %dma_start3A_696 : memref<1x2x50x64xf32, #tpu.memory_space<vmem>> -> memref<2x50x64xf32, #tpu.memory_space<vmem>>
      %dma_start3A_698 = arith.constant 0 : i32
      %dma_start3A_699 = arith.constant 0 : i32
      %dma_start3A_700 = tpu.memref_slice %arg6[%add3A_670, %dma_start3A_698, %dma_start3A_699] : memref<4096x50x64xf32, #tpu.memory_space<hbm>> -> memref<2x50x64xf32, #tpu.memory_space<hbm>>
      %dma_start3A_701 = tpu.memref_slice %arg13[%dma_start3A_692] : memref<4x!tpu.dma_semaphore, #tpu.memory_space<semaphore_mem>> -> memref<1x!tpu.dma_semaphore, #tpu.memory_space<semaphore_mem>>
      %dma_start3A_702 = tpu.memref_squeeze %dma_start3A_701 : memref<1x!tpu.dma_semaphore, #tpu.memory_space<semaphore_mem>> -> memref<!tpu.dma_semaphore, #tpu.memory_space<semaphore_mem>>
      %dma_start3A_703 = arith.constant 0 : i32
      %dma_start3A_704 = arith.constant 0 : i32
      %dma_start3A_705 = tpu.memref_slice %arg6[%add3A_670, %dma_start3A_703, %dma_start3A_704] : memref<4096x50x64xf32, #tpu.memory_space<hbm>> -> memref<2x50x64xf32, #tpu.memory_space<hbm>>
      %dma_start3A_706 = arith.constant 0 : i32
      %dma_start3A_707 = arith.constant 0 : i32
      %dma_start3A_708 = arith.constant 0 : i32
      %dma_start3A_709 = tpu.memref_slice %arg9[%dma_start3A_691, %dma_start3A_706, %dma_start3A_707, %dma_start3A_708] : memref<4x2x50x64xf32, #tpu.memory_space<vmem>> -> memref<1x2x50x64xf32, #tpu.memory_space<vmem>>
      %dma_start3A_710 = tpu.memref_squeeze %dma_start3A_709 : memref<1x2x50x64xf32, #tpu.memory_space<vmem>> -> memref<2x50x64xf32, #tpu.memory_space<vmem>>
      tpu.enqueue_dma source(%dma_start3A_710 : memref<2x50x64xf32, #tpu.memory_space<vmem>>) target(%dma_start3A_705 : memref<2x50x64xf32, #tpu.memory_space<hbm>>) target_semaphore(%dma_start3A_702 : memref<!tpu.dma_semaphore, #tpu.memory_space<semaphore_mem>>)
      %add3A_711 = arith.constant 2 : i32
      %add3A_712 = arith.addi %add3A_599, %add3A_711 : i32
      %ge3A_713 = arith.constant 4 : i32
      %ge3A_714 = arith.cmpi sge, %add3A_712, %ge3A_713 : i32
      %convert_element_type3A_715 = arith.extui %ge3A_714 : i1 to i32
      %cond3A_716 = arith.constant 0 : i32
      %cond3A_717 = arith.cmpi ne, %convert_element_type3A_715, %cond3A_716 : i32
      scf.if %cond3A_717 {
        %sub3A = arith.constant 4 : i32
        %sub3A_723 = arith.subi %add3A_712, %sub3A : i32
        %mul3A_724 = arith.constant 2 : i32
        %mul3A_725 = arith.muli %mul3A_724, %sub3A_723 : i32
        %add3A_726 = arith.addi %mul3A_2, %mul3A_725 : i32
        %dma_wait3A_727 = arith.constant 1 : i32
        %dma_wait3A_728 = arith.constant 1 : i32
        %dma_wait3A_729 = arith.constant 0 : i32
        %dma_wait3A_730 = arith.constant 0 : i32
        %dma_wait3A_731 = arith.constant 0 : i32
        %dma_wait3A_732 = tpu.memref_slice %arg8[%dma_wait3A_727, %dma_wait3A_729, %dma_wait3A_730, %dma_wait3A_731] : memref<4x2x50x64xf32, #tpu.memory_space<vmem>> -> memref<1x2x50x64xf32, #tpu.memory_space<vmem>>
        %dma_wait3A_733 = tpu.memref_squeeze %dma_wait3A_732 : memref<1x2x50x64xf32, #tpu.memory_space<vmem>> -> memref<2x50x64xf32, #tpu.memory_space<vmem>>
        %dma_wait3A_734 = arith.constant 0 : i32
        %dma_wait3A_735 = arith.constant 0 : i32
        %dma_wait3A_736 = tpu.memref_slice %arg5[%add3A_726, %dma_wait3A_734, %dma_wait3A_735] : memref<4096x50x64xf32, #tpu.memory_space<hbm>> -> memref<2x50x64xf32, #tpu.memory_space<hbm>>
        %dma_wait3A_737 = tpu.memref_slice %arg12[%dma_wait3A_728] : memref<4x!tpu.dma_semaphore, #tpu.memory_space<semaphore_mem>> -> memref<1x!tpu.dma_semaphore, #tpu.memory_space<semaphore_mem>>
        %dma_wait3A_738 = tpu.memref_squeeze %dma_wait3A_737 : memref<1x!tpu.dma_semaphore, #tpu.memory_space<semaphore_mem>> -> memref<!tpu.dma_semaphore, #tpu.memory_space<semaphore_mem>>
        %dma_wait3A_739 = arith.constant 0 : i32
        %dma_wait3A_740 = arith.constant 0 : i32
        %dma_wait3A_741 = tpu.memref_slice %arg5[%add3A_726, %dma_wait3A_739, %dma_wait3A_740] : memref<4096x50x64xf32, #tpu.memory_space<hbm>> -> memref<2x50x64xf32, #tpu.memory_space<hbm>>
        %dma_wait3A_742 = arith.constant 0 : i32
        %dma_wait3A_743 = arith.constant 0 : i32
        %dma_wait3A_744 = arith.constant 0 : i32
        %dma_wait3A_745 = tpu.memref_slice %arg8[%dma_wait3A_727, %dma_wait3A_742, %dma_wait3A_743, %dma_wait3A_744] : memref<4x2x50x64xf32, #tpu.memory_space<vmem>> -> memref<1x2x50x64xf32, #tpu.memory_space<vmem>>
        %dma_wait3A_746 = tpu.memref_squeeze %dma_wait3A_745 : memref<1x2x50x64xf32, #tpu.memory_space<vmem>> -> memref<2x50x64xf32, #tpu.memory_space<vmem>>
        tpu.wait_dma2 semaphore(%dma_wait3A_738 : memref<!tpu.dma_semaphore, #tpu.memory_space<semaphore_mem>>) src(%dma_wait3A_746 : memref<2x50x64xf32, #tpu.memory_space<vmem>>) dst(%dma_wait3A_741 : memref<2x50x64xf32, #tpu.memory_space<hbm>>)
        %dma_wait3A_747 = arith.constant 1 : i32
        %dma_wait3A_748 = arith.constant 1 : i32
        %dma_wait3A_749 = arith.constant 0 : i32
        %dma_wait3A_750 = arith.constant 0 : i32
        %dma_wait3A_751 = arith.constant 0 : i32
        %dma_wait3A_752 = tpu.memref_slice %arg9[%dma_wait3A_747, %dma_wait3A_749, %dma_wait3A_750, %dma_wait3A_751] : memref<4x2x50x64xf32, #tpu.memory_space<vmem>> -> memref<1x2x50x64xf32, #tpu.memory_space<vmem>>
        %dma_wait3A_753 = tpu.memref_squeeze %dma_wait3A_752 : memref<1x2x50x64xf32, #tpu.memory_space<vmem>> -> memref<2x50x64xf32, #tpu.memory_space<vmem>>
        %dma_wait3A_754 = arith.constant 0 : i32
        %dma_wait3A_755 = arith.constant 0 : i32
        %dma_wait3A_756 = tpu.memref_slice %arg6[%add3A_726, %dma_wait3A_754, %dma_wait3A_755] : memref<4096x50x64xf32, #tpu.memory_space<hbm>> -> memref<2x50x64xf32, #tpu.memory_space<hbm>>
        %dma_wait3A_757 = tpu.memref_slice %arg13[%dma_wait3A_748] : memref<4x!tpu.dma_semaphore, #tpu.memory_space<semaphore_mem>> -> memref<1x!tpu.dma_semaphore, #tpu.memory_space<semaphore_mem>>
        %dma_wait3A_758 = tpu.memref_squeeze %dma_wait3A_757 : memref<1x!tpu.dma_semaphore, #tpu.memory_space<semaphore_mem>> -> memref<!tpu.dma_semaphore, #tpu.memory_space<semaphore_mem>>
        %dma_wait3A_759 = arith.constant 0 : i32
        %dma_wait3A_760 = arith.constant 0 : i32
        %dma_wait3A_761 = tpu.memref_slice %arg6[%add3A_726, %dma_wait3A_759, %dma_wait3A_760] : memref<4096x50x64xf32, #tpu.memory_space<hbm>> -> memref<2x50x64xf32, #tpu.memory_space<hbm>>
        %dma_wait3A_762 = arith.constant 0 : i32
        %dma_wait3A_763 = arith.constant 0 : i32
        %dma_wait3A_764 = arith.constant 0 : i32
        %dma_wait3A_765 = tpu.memref_slice %arg9[%dma_wait3A_747, %dma_wait3A_762, %dma_wait3A_763, %dma_wait3A_764] : memref<4x2x50x64xf32, #tpu.memory_space<vmem>> -> memref<1x2x50x64xf32, #tpu.memory_space<vmem>>
        %dma_wait3A_766 = tpu.memref_squeeze %dma_wait3A_765 : memref<1x2x50x64xf32, #tpu.memory_space<vmem>> -> memref<2x50x64xf32, #tpu.memory_space<vmem>>
        tpu.wait_dma2 semaphore(%dma_wait3A_758 : memref<!tpu.dma_semaphore, #tpu.memory_space<semaphore_mem>>) src(%dma_wait3A_766 : memref<2x50x64xf32, #tpu.memory_space<vmem>>) dst(%dma_wait3A_761 : memref<2x50x64xf32, #tpu.memory_space<hbm>>)
      } else {
      }
      %lt3A_718 = arith.constant 64 : i32
      %lt3A_719 = arith.cmpi slt, %add3A_712, %lt3A_718 : i32
      %convert_element_type3A_720 = arith.extui %lt3A_719 : i1 to i32
      %cond3A_721 = arith.constant 0 : i32
      %cond3A_722 = arith.cmpi ne, %convert_element_type3A_720, %cond3A_721 : i32
      scf.if %cond3A_722 {
        %mul3A_723 = arith.constant 2 : i32
        %mul3A_724 = arith.muli %mul3A_723, %add3A_712 : i32
        %add3A_725 = arith.constant 0 : i32
        %add3A_726 = arith.addi %mul3A_724, %add3A_725 : i32
        %mul3A_727 = arith.constant 2 : i32
        %mul3A_728 = arith.muli %mul3A_727, %add3A_712 : i32
        %add3A_729 = arith.constant 1 : i32
        %add3A_730 = arith.addi %mul3A_728, %add3A_729 : i32
        %dma_start3A_731 = arith.constant 1 : i32
        %dma_start3A_732 = arith.constant 0 : i32
        %dma_start3A_733 = arith.constant 1 : i32
        %dma_start3A_734 = arith.constant 0 : i32
        %dma_start3A_735 = arith.constant 0 : i32
        %dma_start3A_736 = tpu.memref_slice %arg8[%dma_start3A_731, %dma_start3A_732, %dma_start3A_734, %dma_start3A_735] : memref<4x2x50x64xf32, #tpu.memory_space<vmem>> -> memref<1x1x50x64xf32, #tpu.memory_space<vmem>>
        %dma_start3A_737 = tpu.memref_squeeze %dma_start3A_736 : memref<1x1x50x64xf32, #tpu.memory_space<vmem>> -> memref<50x64xf32, #tpu.memory_space<vmem>>
        %dma_start3A_738 = arith.constant 0 : i32
        %dma_start3A_739 = tpu.memref_slice %arg7[%add3A_726, %dma_start3A_738] : memref<128x50xi32, #tpu.memory_space<vmem>> -> memref<1x50xi32, #tpu.memory_space<vmem>>
        %dma_start3A_740 = tpu.memref_squeeze %dma_start3A_739 : memref<1x50xi32, #tpu.memory_space<vmem>> -> memref<50xi32, #tpu.memory_space<vmem>>
        %dma_start3A_741 = arith.constant 0 : i32
        %dma_start3A_742 = arith.constant 0 : i32
        %dma_start3A_743 = tpu.memref_slice %arg3[%dma_start3A_741, %dma_start3A_742] : memref<100000x64xf32, #tpu.memory_space<hbm>> -> memref<100000x64xf32, #tpu.memory_space<hbm>>
        %dma_start3A_744 = tpu.memref_slice %arg10[%dma_start3A_733] : memref<4x!tpu.dma_semaphore, #tpu.memory_space<semaphore_mem>> -> memref<1x!tpu.dma_semaphore, #tpu.memory_space<semaphore_mem>>
        %dma_start3A_745 = tpu.memref_squeeze %dma_start3A_744 : memref<1x!tpu.dma_semaphore, #tpu.memory_space<semaphore_mem>> -> memref<!tpu.dma_semaphore, #tpu.memory_space<semaphore_mem>>
        tpu.enqueue_indirect_dma source(%dma_start3A_743 : memref<100000x64xf32, #tpu.memory_space<hbm>>) target(%dma_start3A_737 : memref<50x64xf32, #tpu.memory_space<vmem>>) offsets(%dma_start3A_740 : memref<50xi32, #tpu.memory_space<vmem>>) semaphore(%dma_start3A_745 : memref<!tpu.dma_semaphore, #tpu.memory_space<semaphore_mem>>)
        %dma_start3A_746 = arith.constant 1 : i32
        %dma_start3A_747 = arith.constant 0 : i32
        %dma_start3A_748 = arith.constant 1 : i32
        %dma_start3A_749 = arith.constant 0 : i32
        %dma_start3A_750 = arith.constant 0 : i32
        %dma_start3A_751 = tpu.memref_slice %arg9[%dma_start3A_746, %dma_start3A_747, %dma_start3A_749, %dma_start3A_750] : memref<4x2x50x64xf32, #tpu.memory_space<vmem>> -> memref<1x1x50x64xf32, #tpu.memory_space<vmem>>
        %dma_start3A_752 = tpu.memref_squeeze %dma_start3A_751 : memref<1x1x50x64xf32, #tpu.memory_space<vmem>> -> memref<50x64xf32, #tpu.memory_space<vmem>>
        %dma_start3A_753 = arith.constant 0 : i32
        %dma_start3A_754 = tpu.memref_slice %arg7[%add3A_726, %dma_start3A_753] : memref<128x50xi32, #tpu.memory_space<vmem>> -> memref<1x50xi32, #tpu.memory_space<vmem>>
        %dma_start3A_755 = tpu.memref_squeeze %dma_start3A_754 : memref<1x50xi32, #tpu.memory_space<vmem>> -> memref<50xi32, #tpu.memory_space<vmem>>
        %dma_start3A_756 = arith.constant 0 : i32
        %dma_start3A_757 = arith.constant 0 : i32
        %dma_start3A_758 = tpu.memref_slice %arg4[%dma_start3A_756, %dma_start3A_757] : memref<100000x64xf32, #tpu.memory_space<hbm>> -> memref<100000x64xf32, #tpu.memory_space<hbm>>
        %dma_start3A_759 = tpu.memref_slice %arg11[%dma_start3A_748] : memref<4x!tpu.dma_semaphore, #tpu.memory_space<semaphore_mem>> -> memref<1x!tpu.dma_semaphore, #tpu.memory_space<semaphore_mem>>
        %dma_start3A_760 = tpu.memref_squeeze %dma_start3A_759 : memref<1x!tpu.dma_semaphore, #tpu.memory_space<semaphore_mem>> -> memref<!tpu.dma_semaphore, #tpu.memory_space<semaphore_mem>>
        tpu.enqueue_indirect_dma source(%dma_start3A_758 : memref<100000x64xf32, #tpu.memory_space<hbm>>) target(%dma_start3A_752 : memref<50x64xf32, #tpu.memory_space<vmem>>) offsets(%dma_start3A_755 : memref<50xi32, #tpu.memory_space<vmem>>) semaphore(%dma_start3A_760 : memref<!tpu.dma_semaphore, #tpu.memory_space<semaphore_mem>>)
        %dma_start3A_761 = arith.constant 1 : i32
        %dma_start3A_762 = arith.constant 1 : i32
        %dma_start3A_763 = arith.constant 1 : i32
        %dma_start3A_764 = arith.constant 0 : i32
        %dma_start3A_765 = arith.constant 0 : i32
        %dma_start3A_766 = tpu.memref_slice %arg8[%dma_start3A_761, %dma_start3A_762, %dma_start3A_764, %dma_start3A_765] : memref<4x2x50x64xf32, #tpu.memory_space<vmem>> -> memref<1x1x50x64xf32, #tpu.memory_space<vmem>>
        %dma_start3A_767 = tpu.memref_squeeze %dma_start3A_766 : memref<1x1x50x64xf32, #tpu.memory_space<vmem>> -> memref<50x64xf32, #tpu.memory_space<vmem>>
        %dma_start3A_768 = arith.constant 0 : i32
        %dma_start3A_769 = tpu.memref_slice %arg7[%add3A_730, %dma_start3A_768] : memref<128x50xi32, #tpu.memory_space<vmem>> -> memref<1x50xi32, #tpu.memory_space<vmem>>
        %dma_start3A_770 = tpu.memref_squeeze %dma_start3A_769 : memref<1x50xi32, #tpu.memory_space<vmem>> -> memref<50xi32, #tpu.memory_space<vmem>>
        %dma_start3A_771 = arith.constant 0 : i32
        %dma_start3A_772 = arith.constant 0 : i32
        %dma_start3A_773 = tpu.memref_slice %arg3[%dma_start3A_771, %dma_start3A_772] : memref<100000x64xf32, #tpu.memory_space<hbm>> -> memref<100000x64xf32, #tpu.memory_space<hbm>>
        %dma_start3A_774 = tpu.memref_slice %arg10[%dma_start3A_763] : memref<4x!tpu.dma_semaphore, #tpu.memory_space<semaphore_mem>> -> memref<1x!tpu.dma_semaphore, #tpu.memory_space<semaphore_mem>>
        %dma_start3A_775 = tpu.memref_squeeze %dma_start3A_774 : memref<1x!tpu.dma_semaphore, #tpu.memory_space<semaphore_mem>> -> memref<!tpu.dma_semaphore, #tpu.memory_space<semaphore_mem>>
        tpu.enqueue_indirect_dma source(%dma_start3A_773 : memref<100000x64xf32, #tpu.memory_space<hbm>>) target(%dma_start3A_767 : memref<50x64xf32, #tpu.memory_space<vmem>>) offsets(%dma_start3A_770 : memref<50xi32, #tpu.memory_space<vmem>>) semaphore(%dma_start3A_775 : memref<!tpu.dma_semaphore, #tpu.memory_space<semaphore_mem>>)
        %dma_start3A_776 = arith.constant 1 : i32
        %dma_start3A_777 = arith.constant 1 : i32
        %dma_start3A_778 = arith.constant 1 : i32
        %dma_start3A_779 = arith.constant 0 : i32
        %dma_start3A_780 = arith.constant 0 : i32
        %dma_start3A_781 = tpu.memref_slice %arg9[%dma_start3A_776, %dma_start3A_777, %dma_start3A_779, %dma_start3A_780] : memref<4x2x50x64xf32, #tpu.memory_space<vmem>> -> memref<1x1x50x64xf32, #tpu.memory_space<vmem>>
        %dma_start3A_782 = tpu.memref_squeeze %dma_start3A_781 : memref<1x1x50x64xf32, #tpu.memory_space<vmem>> -> memref<50x64xf32, #tpu.memory_space<vmem>>
        %dma_start3A_783 = arith.constant 0 : i32
        %dma_start3A_784 = tpu.memref_slice %arg7[%add3A_730, %dma_start3A_783] : memref<128x50xi32, #tpu.memory_space<vmem>> -> memref<1x50xi32, #tpu.memory_space<vmem>>
        %dma_start3A_785 = tpu.memref_squeeze %dma_start3A_784 : memref<1x50xi32, #tpu.memory_space<vmem>> -> memref<50xi32, #tpu.memory_space<vmem>>
        %dma_start3A_786 = arith.constant 0 : i32
        %dma_start3A_787 = arith.constant 0 : i32
        %dma_start3A_788 = tpu.memref_slice %arg4[%dma_start3A_786, %dma_start3A_787] : memref<100000x64xf32, #tpu.memory_space<hbm>> -> memref<100000x64xf32, #tpu.memory_space<hbm>>
        %dma_start3A_789 = tpu.memref_slice %arg11[%dma_start3A_778] : memref<4x!tpu.dma_semaphore, #tpu.memory_space<semaphore_mem>> -> memref<1x!tpu.dma_semaphore, #tpu.memory_space<semaphore_mem>>
        %dma_start3A_790 = tpu.memref_squeeze %dma_start3A_789 : memref<1x!tpu.dma_semaphore, #tpu.memory_space<semaphore_mem>> -> memref<!tpu.dma_semaphore, #tpu.memory_space<semaphore_mem>>
        tpu.enqueue_indirect_dma source(%dma_start3A_788 : memref<100000x64xf32, #tpu.memory_space<hbm>>) target(%dma_start3A_782 : memref<50x64xf32, #tpu.memory_space<vmem>>) offsets(%dma_start3A_785 : memref<50xi32, #tpu.memory_space<vmem>>) semaphore(%dma_start3A_790 : memref<!tpu.dma_semaphore, #tpu.memory_space<semaphore_mem>>)
      } else {
      }
    }
    %scan3A_134 = arith.constant 16 : i32
    %add3A_135 = arith.constant 124 : i32
    %add3A_136 = arith.addi %mul3A_2, %add3A_135 : i32
    %dma_wait3A = arith.constant 2 : i32
    %dma_wait3A_137 = arith.constant 2 : i32
    %dma_wait3A_138 = arith.constant 0 : i32
    %dma_wait3A_139 = arith.constant 0 : i32
    %dma_wait3A_140 = arith.constant 0 : i32
    %dma_wait3A_141 = tpu.memref_slice %arg8[%dma_wait3A, %dma_wait3A_138, %dma_wait3A_139, %dma_wait3A_140] : memref<4x2x50x64xf32, #tpu.memory_space<vmem>> -> memref<1x2x50x64xf32, #tpu.memory_space<vmem>>
    %dma_wait3A_142 = tpu.memref_squeeze %dma_wait3A_141 : memref<1x2x50x64xf32, #tpu.memory_space<vmem>> -> memref<2x50x64xf32, #tpu.memory_space<vmem>>
    %dma_wait3A_143 = arith.constant 0 : i32
    %dma_wait3A_144 = arith.constant 0 : i32
    %dma_wait3A_145 = tpu.memref_slice %arg5[%add3A_136, %dma_wait3A_143, %dma_wait3A_144] : memref<4096x50x64xf32, #tpu.memory_space<hbm>> -> memref<2x50x64xf32, #tpu.memory_space<hbm>>
    %dma_wait3A_146 = tpu.memref_slice %arg12[%dma_wait3A_137] : memref<4x!tpu.dma_semaphore, #tpu.memory_space<semaphore_mem>> -> memref<1x!tpu.dma_semaphore, #tpu.memory_space<semaphore_mem>>
    %dma_wait3A_147 = tpu.memref_squeeze %dma_wait3A_146 : memref<1x!tpu.dma_semaphore, #tpu.memory_space<semaphore_mem>> -> memref<!tpu.dma_semaphore, #tpu.memory_space<semaphore_mem>>
    %dma_wait3A_148 = arith.constant 0 : i32
    %dma_wait3A_149 = arith.constant 0 : i32
    %dma_wait3A_150 = tpu.memref_slice %arg5[%add3A_136, %dma_wait3A_148, %dma_wait3A_149] : memref<4096x50x64xf32, #tpu.memory_space<hbm>> -> memref<2x50x64xf32, #tpu.memory_space<hbm>>
    %dma_wait3A_151 = arith.constant 0 : i32
    %dma_wait3A_152 = arith.constant 0 : i32
    %dma_wait3A_153 = arith.constant 0 : i32
    %dma_wait3A_154 = tpu.memref_slice %arg8[%dma_wait3A, %dma_wait3A_151, %dma_wait3A_152, %dma_wait3A_153] : memref<4x2x50x64xf32, #tpu.memory_space<vmem>> -> memref<1x2x50x64xf32, #tpu.memory_space<vmem>>
    %dma_wait3A_155 = tpu.memref_squeeze %dma_wait3A_154 : memref<1x2x50x64xf32, #tpu.memory_space<vmem>> -> memref<2x50x64xf32, #tpu.memory_space<vmem>>
    tpu.wait_dma2 semaphore(%dma_wait3A_147 : memref<!tpu.dma_semaphore, #tpu.memory_space<semaphore_mem>>) src(%dma_wait3A_155 : memref<2x50x64xf32, #tpu.memory_space<vmem>>) dst(%dma_wait3A_150 : memref<2x50x64xf32, #tpu.memory_space<hbm>>)
    %dma_wait3A_156 = arith.constant 2 : i32
    %dma_wait3A_157 = arith.constant 2 : i32
    %dma_wait3A_158 = arith.constant 0 : i32
    %dma_wait3A_159 = arith.constant 0 : i32
    %dma_wait3A_160 = arith.constant 0 : i32
    %dma_wait3A_161 = tpu.memref_slice %arg9[%dma_wait3A_156, %dma_wait3A_158, %dma_wait3A_159, %dma_wait3A_160] : memref<4x2x50x64xf32, #tpu.memory_space<vmem>> -> memref<1x2x50x64xf32, #tpu.memory_space<vmem>>
    %dma_wait3A_162 = tpu.memref_squeeze %dma_wait3A_161 : memref<1x2x50x64xf32, #tpu.memory_space<vmem>> -> memref<2x50x64xf32, #tpu.memory_space<vmem>>
    %dma_wait3A_163 = arith.constant 0 : i32
    %dma_wait3A_164 = arith.constant 0 : i32
    %dma_wait3A_165 = tpu.memref_slice %arg6[%add3A_136, %dma_wait3A_163, %dma_wait3A_164] : memref<4096x50x64xf32, #tpu.memory_space<hbm>> -> memref<2x50x64xf32, #tpu.memory_space<hbm>>
    %dma_wait3A_166 = tpu.memref_slice %arg13[%dma_wait3A_157] : memref<4x!tpu.dma_semaphore, #tpu.memory_space<semaphore_mem>> -> memref<1x!tpu.dma_semaphore, #tpu.memory_space<semaphore_mem>>
    %dma_wait3A_167 = tpu.memref_squeeze %dma_wait3A_166 : memref<1x!tpu.dma_semaphore, #tpu.memory_space<semaphore_mem>> -> memref<!tpu.dma_semaphore, #tpu.memory_space<semaphore_mem>>
    %dma_wait3A_168 = arith.constant 0 : i32
    %dma_wait3A_169 = arith.constant 0 : i32
    %dma_wait3A_170 = tpu.memref_slice %arg6[%add3A_136, %dma_wait3A_168, %dma_wait3A_169] : memref<4096x50x64xf32, #tpu.memory_space<hbm>> -> memref<2x50x64xf32, #tpu.memory_space<hbm>>
    %dma_wait3A_171 = arith.constant 0 : i32
    %dma_wait3A_172 = arith.constant 0 : i32
    %dma_wait3A_173 = arith.constant 0 : i32
    %dma_wait3A_174 = tpu.memref_slice %arg9[%dma_wait3A_156, %dma_wait3A_171, %dma_wait3A_172, %dma_wait3A_173] : memref<4x2x50x64xf32, #tpu.memory_space<vmem>> -> memref<1x2x50x64xf32, #tpu.memory_space<vmem>>
    %dma_wait3A_175 = tpu.memref_squeeze %dma_wait3A_174 : memref<1x2x50x64xf32, #tpu.memory_space<vmem>> -> memref<2x50x64xf32, #tpu.memory_space<vmem>>
    tpu.wait_dma2 semaphore(%dma_wait3A_167 : memref<!tpu.dma_semaphore, #tpu.memory_space<semaphore_mem>>) src(%dma_wait3A_175 : memref<2x50x64xf32, #tpu.memory_space<vmem>>) dst(%dma_wait3A_170 : memref<2x50x64xf32, #tpu.memory_space<hbm>>)
    %add3A_176 = arith.constant 126 : i32
    %add3A_177 = arith.addi %mul3A_2, %add3A_176 : i32
    %dma_wait3A_178 = arith.constant 3 : i32
    %dma_wait3A_179 = arith.constant 3 : i32
    %dma_wait3A_180 = arith.constant 0 : i32
    %dma_wait3A_181 = arith.constant 0 : i32
    %dma_wait3A_182 = arith.constant 0 : i32
    %dma_wait3A_183 = tpu.memref_slice %arg8[%dma_wait3A_178, %dma_wait3A_180, %dma_wait3A_181, %dma_wait3A_182] : memref<4x2x50x64xf32, #tpu.memory_space<vmem>> -> memref<1x2x50x64xf32, #tpu.memory_space<vmem>>
    %dma_wait3A_184 = tpu.memref_squeeze %dma_wait3A_183 : memref<1x2x50x64xf32, #tpu.memory_space<vmem>> -> memref<2x50x64xf32, #tpu.memory_space<vmem>>
    %dma_wait3A_185 = arith.constant 0 : i32
    %dma_wait3A_186 = arith.constant 0 : i32
    %dma_wait3A_187 = tpu.memref_slice %arg5[%add3A_177, %dma_wait3A_185, %dma_wait3A_186] : memref<4096x50x64xf32, #tpu.memory_space<hbm>> -> memref<2x50x64xf32, #tpu.memory_space<hbm>>
    %dma_wait3A_188 = tpu.memref_slice %arg12[%dma_wait3A_179] : memref<4x!tpu.dma_semaphore, #tpu.memory_space<semaphore_mem>> -> memref<1x!tpu.dma_semaphore, #tpu.memory_space<semaphore_mem>>
    %dma_wait3A_189 = tpu.memref_squeeze %dma_wait3A_188 : memref<1x!tpu.dma_semaphore, #tpu.memory_space<semaphore_mem>> -> memref<!tpu.dma_semaphore, #tpu.memory_space<semaphore_mem>>
    %dma_wait3A_190 = arith.constant 0 : i32
    %dma_wait3A_191 = arith.constant 0 : i32
    %dma_wait3A_192 = tpu.memref_slice %arg5[%add3A_177, %dma_wait3A_190, %dma_wait3A_191] : memref<4096x50x64xf32, #tpu.memory_space<hbm>> -> memref<2x50x64xf32, #tpu.memory_space<hbm>>
    %dma_wait3A_193 = arith.constant 0 : i32
    %dma_wait3A_194 = arith.constant 0 : i32
    %dma_wait3A_195 = arith.constant 0 : i32
    %dma_wait3A_196 = tpu.memref_slice %arg8[%dma_wait3A_178, %dma_wait3A_193, %dma_wait3A_194, %dma_wait3A_195] : memref<4x2x50x64xf32, #tpu.memory_space<vmem>> -> memref<1x2x50x64xf32, #tpu.memory_space<vmem>>
    %dma_wait3A_197 = tpu.memref_squeeze %dma_wait3A_196 : memref<1x2x50x64xf32, #tpu.memory_space<vmem>> -> memref<2x50x64xf32, #tpu.memory_space<vmem>>
    tpu.wait_dma2 semaphore(%dma_wait3A_189 : memref<!tpu.dma_semaphore, #tpu.memory_space<semaphore_mem>>) src(%dma_wait3A_197 : memref<2x50x64xf32, #tpu.memory_space<vmem>>) dst(%dma_wait3A_192 : memref<2x50x64xf32, #tpu.memory_space<hbm>>)
    %dma_wait3A_198 = arith.constant 3 : i32
    %dma_wait3A_199 = arith.constant 3 : i32
    %dma_wait3A_200 = arith.constant 0 : i32
    %dma_wait3A_201 = arith.constant 0 : i32
    %dma_wait3A_202 = arith.constant 0 : i32
    %dma_wait3A_203 = tpu.memref_slice %arg9[%dma_wait3A_198, %dma_wait3A_200, %dma_wait3A_201, %dma_wait3A_202] : memref<4x2x50x64xf32, #tpu.memory_space<vmem>> -> memref<1x2x50x64xf32, #tpu.memory_space<vmem>>
    %dma_wait3A_204 = tpu.memref_squeeze %dma_wait3A_203 : memref<1x2x50x64xf32, #tpu.memory_space<vmem>> -> memref<2x50x64xf32, #tpu.memory_space<vmem>>
    %dma_wait3A_205 = arith.constant 0 : i32
    %dma_wait3A_206 = arith.constant 0 : i32
    %dma_wait3A_207 = tpu.memref_slice %arg6[%add3A_177, %dma_wait3A_205, %dma_wait3A_206] : memref<4096x50x64xf32, #tpu.memory_space<hbm>> -> memref<2x50x64xf32, #tpu.memory_space<hbm>>
    %dma_wait3A_208 = tpu.memref_slice %arg13[%dma_wait3A_199] : memref<4x!tpu.dma_semaphore, #tpu.memory_space<semaphore_mem>> -> memref<1x!tpu.dma_semaphore, #tpu.memory_space<semaphore_mem>>
    %dma_wait3A_209 = tpu.memref_squeeze %dma_wait3A_208 : memref<1x!tpu.dma_semaphore, #tpu.memory_space<semaphore_mem>> -> memref<!tpu.dma_semaphore, #tpu.memory_space<semaphore_mem>>
    %dma_wait3A_210 = arith.constant 0 : i32
    %dma_wait3A_211 = arith.constant 0 : i32
    %dma_wait3A_212 = tpu.memref_slice %arg6[%add3A_177, %dma_wait3A_210, %dma_wait3A_211] : memref<4096x50x64xf32, #tpu.memory_space<hbm>> -> memref<2x50x64xf32, #tpu.memory_space<hbm>>
    %dma_wait3A_213 = arith.constant 0 : i32
    %dma_wait3A_214 = arith.constant 0 : i32
    %dma_wait3A_215 = arith.constant 0 : i32
    %dma_wait3A_216 = tpu.memref_slice %arg9[%dma_wait3A_198, %dma_wait3A_213, %dma_wait3A_214, %dma_wait3A_215] : memref<4x2x50x64xf32, #tpu.memory_space<vmem>> -> memref<1x2x50x64xf32, #tpu.memory_space<vmem>>
    %dma_wait3A_217 = tpu.memref_squeeze %dma_wait3A_216 : memref<1x2x50x64xf32, #tpu.memory_space<vmem>> -> memref<2x50x64xf32, #tpu.memory_space<vmem>>
    tpu.wait_dma2 semaphore(%dma_wait3A_209 : memref<!tpu.dma_semaphore, #tpu.memory_space<semaphore_mem>>) src(%dma_wait3A_217 : memref<2x50x64xf32, #tpu.memory_space<vmem>>) dst(%dma_wait3A_212 : memref<2x50x64xf32, #tpu.memory_space<hbm>>)
    return
  }
}

</mosaic_0001>

<sc_bundles>
// kernel: kernel.3.cloned.1.call-start
scs
__scs_entry_jumppad:
0x0: {  	(pc) =	sbr.rel $0x88, $3  }
0x1: {  	(tag) =	ssettag $0x0;
	lr =	simm.s32 $0x1  }
0x2: {  	[smem:$0x3F9E] =	sst lr;
	_ =	strace $0xD0000000  }
0x3: {  	_ = 	snop  }
0x4: {  	_ = 	snop  }
0x5: {  	_ = 	snop  }
0x6: {  	_ = 	snop  }
0x7: {  	_ = 	snop  }
__scs_overlays_trampoline_lowered:
0x8: {  	[smem:$0x3FAD] =	sst s0  }
0x9: {  	[smem:$0x3FAE] =	sst s1  }
0xa: {  	[smem:$0x3FAF] =	sst s2  }
0xb: {  	[smem:$0x3FB0] =	sst s3  }
0xc: {  	[smem:$0x3FB1] =	sst s4  }
0xd: {  	[smem:$0x3FB2] =	sst s5  }
0xe: {  	[smem:$0x3FB3] =	sst s6  }
0xf: {  	[smem:$0x3FB4] =	sst s7  }
0x10: {  	[smem:$0x3FB5] =	sst s8  }
0x11: {  	[smem:$0x3FB6] =	sst s9;
	s0 =	simm.s32 @!p0 $0x0  }
0x12: {  	s1 =	sld [smem:$0x3F9C];
	s0 =	simm.s32 @p0 $0x1  }
0x13: {  	[smem:$0x3FB7] =	sst s0;
	s0 =	simm.s32 @!p1 $0x0  }
0x14: {  	s2 =	sld [smem:$0x3F9B];
	s0 =	simm.s32 @p1 $0x1  }
0x15: {  	[smem:$0x3FB8] =	sst s0;
	s0 =	simm.s32 @!p2 $0x0  }
0x16: {  	s3 =	sld [smem:$0x3FDB];
	s0 =	simm.s32 @p2 $0x1  }
0x17: {  	s4 =	simm.s32 $0x1BF5;
	[smem:$0x3FBA] =	sst s0  }
0x18: {  	s0 =	sld [smem:$0x3F9D];
	_ =	swait.ge [sflag:s4], $0x0  }
0x19: {  	s7 =	sld [smem:$0x3F9E]  }
0x1a: {  	s8 =	sadd.s32 $0xFFFFE003, lr  }
0x1b: {  	s9 =	sadd.s32 $0xFFFFFEF7, lr;
	s5 =	simm.s32 $0xFFFFFFFF;
	p2 =	slt.u32 s8, $0xFFFFF086  }
0x1c: {  	p1 =	slt.u32 s9, $0xF7A;
	s5 =	simm.s32 @!p2 $0x0  }
0x1d: {  	s5 =	simm.s32 @p1 $0x1;
	p0 =	seq.s32 s7, s2  }
0x1e: {  	s7 =	smul.u32 @!p0 $0xF7A, s2;
	p2 =	seq.s32 @!p0 s5, $0x0  }
0x1f: {  	s9 =	smul.u32 $0xF7A, s1;
	s8 =	simm.s32 @!p0 $0x1BF5;
	p2 =	por !p2, p0  }
0x20: {  	[sflag:s8] =	ssyncset.s32 @!p0 $0xFFFFF086;
	s6 =	sadd.s32 @!p0 s3, s7;
	s7 =	simm.s32 @!p0 $0x108  }
0x21: {  	s3 =	sadd.s32 s3, s9;
	s6 =	sadd.s32 @!p0 $0x88, s6;
	s7 =	simm.s32 @p2 $0x1082  }
0x22: {  	[simem:s7], [sflag:s8] =	dma.local @!p0 [hbm:s6], $0xF7A  }
0x23: {  	s9 =	sor.u32 $0xD0000000, s2;
	s6 =	simm.s32 $0x108;
	_ =	swait.ge @!p0 [sflag:s8], $0x0  }
0x24: {  	s3 =	sadd.s32 $0x88, s3;
	s6 =	simm.s32 @!p1 $0x1082;
	[sflag:s4] =	ssyncset.s32 $0xFFFFF086  }
0x25: {  	[simem:s6], [sflag:s4] =	dma.local [hbm:s3], $0xF7A  }
0x26: {  	[smem:$0x3F9E] =	sst s1;
	(tag) =	ssettag s2;
	_ =	strace s9  }
0x27: {  	s1 =	sld [smem:$0x3FAE]  }
0x28: {  	s2 =	sld [smem:$0x3FAF]  }
0x29: {  	s4 =	sld [smem:$0x3FB1]  }
0x2a: {  	p0 =	seq.s32 s5, $0x0;
	s5 =	sld [smem:$0x3FB2]  }
0x2b: {  	s6 =	sld [smem:$0x3FB3]  }
0x2c: {  	s7 =	sld [smem:$0x3FB4]  }
0x2d: {  	s3 =	simm.s32 $0x108;
	s8 =	sld [smem:$0x3FB5]  }
0x2e: {  	s3 =	simm.s32 @!p0 $0x1082;
	s9 =	sld [smem:$0x3FB6]  }
0x2f: {  	lr =	sadd.s32 s0, s3;
	s0 =	sld [smem:$0x3FAD]  }
0x30: {  	s3 =	sld [smem:$0x3FB0]  }
0x31: {  	[smem:$0x3FB9] =	sst s10  }
0x32: {  	s10 =	sld [smem:$0x3FB7];
	_ =	sdelay $0x3  }
0x33: {  	p0 =	seq.s32 s10, $0x1;
	s10 =	sld [smem:$0x3FB9];
	_ =	sdelay $0x3  }
0x34: {  	[smem:$0x3FB9] =	sst s10  }
0x35: {  	s10 =	sld [smem:$0x3FB8];
	_ =	sdelay $0x3  }
0x36: {  	p1 =	seq.s32 s10, $0x1;
	s10 =	sld [smem:$0x3FB9];
	_ =	sdelay $0x3  }
0x37: {  	[smem:$0x3FB9] =	sst s10  }
0x38: {  	s10 =	sld [smem:$0x3FBA]  }
0x39: {  	_ = 	snop;
	(pc) =	sbr.ind lr, $3  }
0x3a: {  	_ = 	snop  }
0x3b: {  	_ = 	snop  }
0x3c: {  	p2 =	seq.s32 s10, $0x1;
	s10 =	sld [smem:$0x3FB9]  }
0x3d: {  	_ =	shalt  }
0x3e: {  	_ =	shalt  }
0x3f: {  	_ =	shalt  }
0x40: {  	_ =	shalt  }
0x41: {  	_ =	shalt  }
0x42: {  	_ =	shalt  }
0x43: {  	_ =	shalt  }
0x44: {  	_ =	shalt  }
0x45: {  	_ =	shalt  }
0x46: {  	_ =	shalt  }
0x47: {  	_ =	shalt  }
0x48: {  	_ =	shalt  }
0x49: {  	_ =	shalt  }
0x4a: {  	_ =	shalt  }
0x4b: {  	_ =	shalt  }
0x4c: {  	_ =	shalt  }
0x4d: {  	_ =	shalt  }
0x4e: {  	_ =	shalt  }
0x4f: {  	_ =	shalt  }
0x50: {  	_ =	shalt  }
0x51: {  	_ =	shalt  }
0x52: {  	_ =	shalt  }
0x53: {  	_ =	shalt  }
0x54: {  	_ =	shalt  }
0x55: {  	_ =	shalt  }
0x56: {  	_ =	shalt  }
0x57: {  	_ =	shalt  }
0x58: {  	_ =	shalt  }
0x59: {  	_ =	shalt  }
0x5a: {  	_ =	shalt  }
0x5b: {  	_ =	shalt  }
0x5c: {  	_ =	shalt  }
0x5d: {  	_ =	shalt  }
0x5e: {  	_ =	shalt  }
0x5f: {  	_ =	shalt  }
0x60: {  	_ =	shalt  }
0x61: {  	_ =	shalt  }
0x62: {  	_ =	shalt  }
0x63: {  	_ =	shalt  }
0x64: {  	_ =	shalt  }
0x65: {  	_ =	shalt  }
0x66: {  	_ =	shalt  }
0x67: {  	_ =	shalt  }
0x68: {  	_ =	shalt  }
0x69: {  	_ =	shalt  }
0x6a: {  	_ =	shalt  }
0x6b: {  	_ =	shalt  }
0x6c: {  	_ =	shalt  }
0x6d: {  	_ =	shalt  }
0x6e: {  	_ =	shalt  }
0x6f: {  	_ =	shalt  }
0x70: {  	_ =	shalt  }
0x71: {  	_ =	shalt  }
0x72: {  	_ =	shalt  }
0x73: {  	_ =	shalt  }
0x74: {  	_ =	shalt  }
0x75: {  	_ =	shalt  }
0x76: {  	_ =	shalt  }
0x77: {  	_ =	shalt  }
0x78: {  	_ =	shalt  }
0x79: {  	_ =	shalt  }
0x7a: {  	_ =	shalt  }
0x7b: {  	_ =	shalt  }
0x7c: {  	_ =	shalt  }
0x7d: {  	_ =	shalt  }
0x7e: {  	_ =	shalt  }
0x7f: {  	_ =	shalt  }
0x80: {  	_ =	shalt  }
0x81: {  	_ =	shalt  }
0x82: {  	_ =	shalt  }
0x83: {  	_ =	shalt  }
0x84: {  	_ =	shalt  }
0x85: {  	_ =	shalt  }
0x86: {  	_ =	shalt  }
0x87: {  	_ =	shalt  }
.Lfunc_end0:
.L_simem_size_0:
called_computation.2_lowered:
.L_overlay_start_0:
0x88: {  	s2 =	sld [smem:$0x3FD9]  }
0x89: {  	s3 =	sld [smem:$0x3FFE];
	_ =	sdelay $0x1  }
0x8a: {  	s1 =	srdreg.scid  }
0x8b: {  	s0 =	sand.u32 $0x1, s1  }
0x8c: {  	s14 =	sshll.u32 s0, $0xA;
	s2 =	sadd.s32 s3, s2  }
0x8d: {  	s2 =	sadd.s32 s2, s14  }
0x8e: {  	[smem:$0x3FC5] =	sst s2  }
0x8f: {  	_ = 	snop  }
0x90: {  	s2 =	sld [smem:$0x3FD0];
	_ =	sdelay $0x2  }
0x91: {  	s15 =	simm.s32 $0xB;
	s4 =	simm.s32 $0x10  }
0x92: {  	[smem:s4], [sflag:s15] =	dma.local [hbm:s2], $0x1  }
0x93: {  	_ =	swait.eq [sflag:s15], $0x1  }
0x94: {  	[sflag:s15] =	ssyncset.done $0x0  }
0x95: {  	s16 =	sld [smem:$0x10];
	[sflag:s15] =	ssyncadd.s32 $0xFFFFFFFF  }
0x96: {  	s17 =	sld [smem:$0x11];
	(tm) =	ssettm $0x1  }
0x97: {  	s18 =	sld [smem:$0x3FFB];
	_ =	sdelay $0x3  }
0x98: {  	_ =	strace s18  }
0x99: {  	s4 =	sld [smem:$0x3FFC];
	_ =	sdelay $0x3  }
0x9a: {  	_ =	strace s4  }
0x9b: {  	s4 =	sld [smem:$0x3FFD];
	_ =	sdelay $0x3  }
0x9c: {  	_ =	strace s4  }
0x9d: {  	_ =	strace $0x8FFFFFFF  }
0x9e: {  	s19 =	sld [smem:$0x3FDB];
	_ =	sdelay $0x1  }
0x9f: {  	s5 =	simm.s32 $_scs_section_size  }
0xa0: {  	s6 =	simm.s32 $_size__tile_overlayer_lowered;
	s7 =	simm.s32 $_tile_overlayer_lowered  }
0xa1: {  	s22 =	simm.s32 $0x1BFF;
	s21 =	sshll.u32 s7, $0x1;
	s4 =	sadd.s32 s5, s19  }
0xa2: {  	s8 =	simm.s32 $0x0;
	s20 =	sshll.u32 s6, $0x1;
	s6 =	sadd.s32 s21, s4  }
0xa3: {  	[timem:s8], [sflag:s22] =	dma.local [hbm:s6], s20  }
0xa4: {  	_ =	swait.ge [sflag:s22], s20  }
0xa5: {  	s5 =	ssub.s32 $0x0, s20;
	[sflag:s22] =	ssyncset.done $0x0  }
0xa6: {  	[sflag:s22] =	ssyncadd.s32 s5;
	_ =	sdelay $0x1  }
0xa7: {  	s23 =	simm.s32 $0x1B8B  }
0xa8: {  	_ =	swait.ge [sflag:s23], $0x1  }
0xa9: {  	[sflag:s23] =	ssyncset.done $0x0  }
0xaa: {  	s25 =	simm.s32 $0x1B8E;
	s24 =	sld [smem:$0x3FFE];
	[sflag:s23] =	ssyncadd.s32 $0xFFFFFFFF  }
0xab: {  	s26 =	simm.s32 $execute0_lowered;
	[smem:$0x3FD2] =	sst s25  }
0xac: {  	s6 =	sshll.u32 s26, $0x1;
	_ =	strace $0x80000046;
	[dreg:$0x1] =	wrdreg $0xFFFFFFFF  }
0xad: {  	s28 =	simm.s32 $_size_execute0_lowered;
	s4 =	sadd.s32 s4, s6;
	[dreg:$0x0] =	wrdreg $0x0  }
0xae: {  	s6 =	sshll.u32 s28, $0x1;
	[dreg:$0x2] =	wrdreg s4  }
0xaf: {  	[dreg:$0x3] =	wrdreg s6  }
0xb0: {  	[dreg:$0x4] =	wrdreg $0xC0  }
0xb1: {  	_ =	task [dreg:s8], $0x5FFFF  }
0xb2: {  	[dreg:$0x1] =	wrdreg $0xFFFFFFFF  }
0xb3: {  	[dreg:$0x0] =	wrdreg $0x60  }
0xb4: {  	[dreg:$0x2] =	wrdreg s24  }
0xb5: {  	[dreg:$0x3] =	wrdreg s16  }
0xb6: {  	[dreg:$0x4] =	wrdreg s17  }
0xb7: {  	[dreg:$0x5] =	wrdreg $0x9  }
0xb8: {  	_ =	task.clear_ibuf [dreg:s8], $0x6FFFF;
	_ =	strace $0x90000046  }
0xb9: {  	s29 =	simm.s32 $0x9;
	_ =	strace $0x80000048  }
0xba: {  	_ =	swait.ge [sflag:s29], $0x1  }
0xbb: {  	[sflag:s29] =	ssyncadd.s32 $0xFFFFFFFF  }
0xbc: {  	_ =	strace $0x90000048  }
0xbd: {  	_ =	sfence  }
0xbe: {  	s30 =	sld [smem:$0x0];
	_ =	sdelay $0x2  }
0xbf: {  	s31 =	sshll.u32 s1, $0xD;
	s1 =	sshrl.u32 s1, $0x2  }
0xc0: {  	s3 =	sand.u32 $0x4000, s31;
	s1 =	sadd.s32 s1, s30  }
0xc1: {  	s0 =	sor.u32 s3, s0;
	s1 =	sshll.u32 s1, $0x11  }
0xc2: {  	s0 =	sor.u32 s1, s0  }
0xc3: {  	s0 =	sadd.s32 $0x8F2B, s0  }
0xc4: {  	[sflag:s0] =	ssyncadd.remote.s32 $0x1  }
0xc5: {  	_ =	sfence.sel $0xFFFF  }
0xc6: {  	[dreg:$0x0] =	wrdreg $0xFFFFFFFF;
	(pc) =	sbr.abs _section_cstart, $3  }
0xc7: {  	[dreg:$0x1] =	wrdreg $0xFFFFFFFF  }
0xc8: {  	_ =	task.clear_ibuf [dreg:s8], $0x2FFFF;
	_ =	strace $0x9FFFFFFF  }
0xc9: {  	(tm) =	ssettm $0x7FFFFFFF  }
tec
execute0_lowered:
.L_overlay_start_1:
0x0: {  	(tag) =	ssettag $0x1  }
0x1: {  	s1 =	rddreg [dreg:$0x0]  }
0x2: {  	s0 =	srdreg.scid;
	s5 =	rddreg [dreg:$0x1]  }
0x3: {  	s4 =	stileid.u32;
	s6 =	rddreg [dreg:$0x2];
	s11 =	simm.s32 $0x32  }
0x4: {  	s16 =	simm.s32 $0x3500;
	s18 =	simm.s32 $0x9900;
	s23 =	simm.s32 $0x1  }
0x5: {  	s24 =	simm.s32 $0x5;
	s30 =	simm.s32 $0x2;
	s31 =	simm.s32 $0x6  }
0x6: {  	s14 =	simm.s32 $0xD;
	s17 =	simm.s32 $0x8;
	s20 =	simm.s32 $0xA  }
0x7: {  	s15 =	simm.s32 $0x0;
	s0 =	sand.u32 $0x1, s0;
	s2 =	sshll.u32 s4, $0x8  }
0x8: {  	s10 =	smul.u32 $0x19000, s4;
	s4 =	sadd.s32 $0xCD200, s1;
	s3 =	sshll.u32 s0, $0x7  }
0x9: {  	s8 =	ssub.s32 $0x2, s0;
	s3 =	sor.u32 s3, s2;
	s2 =	simm.s32 $0x0  }
0xa: {  	s9 =	sshrl.u32 s8, $0x1;
	s28 =	sadd.s32 s10, s6;
	s29 =	sadd.s32 s10, s5  }
0xb: {  	s5 =	simm.s32 $0x3;
	s6 =	simm.s32 $0x7;
	s10 =	simm.s32 $0xE  }
0xc: {  	s3 =	smul.u32 $0x7, s3;
	[smem:$0x7FF] =	sst s2;
	s26 =	ssub.s32 s8, s9  }
.Ltmp0:
0xd: {  	_ =	strace $0x80000047;
	[dreg:$0x6] =	wrdreg s28;
	(pc) =	sbr.rel .LBB2_1-.Ltmp0, $4  }
0xe: {  	s8 =	simm.s32 $0x9;
	s9 =	simm.s32 $0x4;
	[dreg:$0x7] =	wrdreg s29  }
0xf: {  	s7 =	sadd.s32 s3, s1;
	s3 =	sadd.s32 $0x9C00, s1;
	s1 =	smax.u32 s26, $0x1  }
0x10: {  	s7 =	sadd.s32 $0x2C00, s7;
	[dreg:$0x5] =	wrdreg s1;
	s1 =	simm.s32 $0x6700  }
0x11: {  	[dreg:$0x4] =	wrdreg s7;
	s7 =	smul.u32 $0xC800, s0;
	s0 =	simm.s32 $0xCB00  }
.LBB2_4:
0x12: {  	s12 =	simm.s32 $0xB  }
0x13: {  	_ =	swait.ge [sflag:s12], $0x1900  }
0x14: {  	[sflag:s12] =	ssyncset.done $0x0  }
0x15: {  	s26 =	simm.s32 $0xF;
	[sflag:s12] =	ssyncadd.s32 $0xFFFFE700  }
0x16: {  	_ =	swait.ge [sflag:s26], $0x1900  }
0x17: {  	[sflag:s26] =	ssyncset.done $0x0  }
0x18: {  	s28 =	simm.s32 $0xC;
	[sflag:s26] =	ssyncadd.s32 $0xFFFFE700  }
0x19: {  	_ =	swait.ge [sflag:s28], $0x1900  }
0x1a: {  	[sflag:s28] =	ssyncset.done $0x0  }
0x1b: {  	s13 =	simm.s32 $0x10;
	[sflag:s28] =	ssyncadd.s32 $0xFFFFE700  }
0x1c: {  	_ =	swait.ge [sflag:s13], $0x1900  }
0x1d: {  	s15 =	rddreg [dreg:$0x8]  }
0x1e: {  	s29 =	rddreg [dreg:$0x5];
	s15 =	sadd.s32 $0x1, s15  }
0x1f: {  	p0 =	sne.s32 s15, s29  }
.Ltmp1:
0x20: {  	_ = 	snop;
	(pc) =	sbr.rel @!p0 .LBB2_5-.Ltmp1, $3  }
0x21: {  	_ =	sdelay $0x1  }
0x22: {  	[sflag:s13] =	ssyncset.done $0x0  }
0x23: {  	s16 =	simm.s32 $0x3500;
	s18 =	simm.s32 $0x9900;
	[sflag:s13] =	ssyncadd.s32 $0xFFFFE700  }
.LBB2_1:
0x24: {  	[dreg:$0x8] =	wrdreg s15  }
0x25: {  	s12 =	rddreg [dreg:$0x4];
	s13 =	simm.s32 $0x11  }
0x26: {  	[tilespmem:s2], [sflag:$0x11] =	stream.linear.gather [hbm4b:s12+s2], $0x1C00, $0x38;
	[tilespmem:$0xE400] =	vst v63  }
0x27: {  	_ =	swait.ge [sflag:s13], $0x1C00  }
0x28: {  	[sflag:s13] =	ssyncset.done $0x0  }
0x29: {  	s15 =	simm.s32 $0x1C00;
	[sflag:s13] =	ssyncadd.s32 $0xFFFFE400  }
0x2a: {  	[tilespmem:s15], [sflag:$0x1] =	stream.indirect.gather [hbm4b:s3+s11], $0x40, s2, s11, $0xb8;
	[tilespmem:$0xE400] =	vst v63  }
0x2b: {  	s19 =	simm.s32 $0x8000  }
0x2c: {  	[tilespmem:s19], [sflag:$0x5] =	stream.indirect.gather [hbm4b:s4+s11], $0x40, s2, s11, $0xb8;
	[tilespmem:$0xE400] =	vst v63  }
0x2d: {  	s21 =	simm.s32 $0x38;
	s13 =	simm.s32 $0x2880  }
0x2e: {  	[tilespmem:s13], [sflag:$0x1] =	stream.indirect.gather [hbm4b:s3+s11], $0x40, s21, s11, $0xb8;
	[tilespmem:$0xE400] =	vst v63  }
0x2f: {  	s22 =	simm.s32 $0x8C80  }
0x30: {  	[tilespmem:s22], [sflag:$0x5] =	stream.indirect.gather [hbm4b:s4+s11], $0x40, s21, s11, $0xb8;
	[tilespmem:$0xE400] =	vst v63  }
0x31: {  	s25 =	simm.s32 $0x70  }
0x32: {  	[tilespmem:s16], [sflag:$0x2] =	stream.indirect.gather [hbm4b:s3+s11], $0x40, s25, s11, $0xb8;
	[tilespmem:$0xE400] =	vst v63  }
0x33: {  	_ = 	snop  }
0x34: {  	[tilespmem:s18], [sflag:$0x6] =	stream.indirect.gather [hbm4b:s4+s11], $0x40, s25, s11, $0xb8;
	[tilespmem:$0xE400] =	vst v63  }
0x35: {  	s26 =	simm.s32 $0xA8;
	s28 =	simm.s32 $0x4180;
	s12 =	rddreg [dreg:$0x7]  }
0x36: {  	[tilespmem:s28], [sflag:$0x2] =	stream.indirect.gather [hbm4b:s3+s11], $0x40, s26, s11, $0xb8;
	[tilespmem:$0xE400] =	vst v63  }
0x37: {  	s29 =	simm.s32 $0xA580;
	s13 =	rddreg [dreg:$0x6];
	s21 =	simm.s32 $0x0  }
0x38: {  	[tilespmem:s29], [sflag:$0x6] =	stream.indirect.gather [hbm4b:s4+s11], $0x40, s26, s11, $0xb8;
	[tilespmem:$0xE400] =	vst v63  }
.LBB2_2:
0x39: {  	_ =	swait.ge [sflag:s23], $0xC80  }
0x3a: {  	[sflag:s23] =	ssyncset.done $0x0  }
0x3b: {  	[sflag:s23] =	ssyncadd.s32 $0xFFFFF380  }
0x3c: {  	_ =	swait.ge [sflag:s24], $0xC80  }
0x3d: {  	[sflag:s24] =	ssyncset.done $0x0  }
0x3e: {  	[sflag:s24] =	ssyncadd.s32 $0xFFFFF380  }
0x3f: {  	_ =	swait.ge [sflag:s23], $0xC80  }
0x40: {  	[sflag:s23] =	ssyncset.done $0x0  }
0x41: {  	[sflag:s23] =	ssyncadd.s32 $0xFFFFF380  }
0x42: {  	_ =	swait.ge [sflag:s24], $0xC80  }
0x43: {  	s28 =	sadd.s32 s12, s7;
	[sflag:s24] =	ssyncset.done $0x0  }
0x44: {  	s15 =	simm.s32 $0x1C00;
	p0 =	seq.s32 s21, $0x0;
	[sflag:s24] =	ssyncadd.s32 $0xFFFFF380  }
0x45: {  	[hbm4b:s28+s2] =	stream.linear.scatter [tilespmem:s15], [sflag:$0x9], $0x1900, $0x38;
	[tilespmem:$0xE400] =	vst v63  }
0x46: {  	s29 =	sadd.s32 s13, s7;
	s25 =	simm.s32 $0x8000;
	s22 =	simm.s32 @!p0 $0xB  }
0x47: {  	[hbm4b:s29+s2] =	stream.linear.scatter [tilespmem:s25], [sflag:$0xD], $0x1900, $0x38;
	[tilespmem:$0xE400] =	vst v63  }
0x48: {  	_ =	swait.ge @!p0 [sflag:s22], $0x1900  }
0x49: {  	[sflag:s22] =	ssyncset.done @!p0 $0x0  }
0x4a: {  	s15 =	simm.s32 @!p0 $0xF;
	[sflag:s22] =	ssyncadd.s32 @!p0 $0xFFFFE700  }
0x4b: {  	_ =	swait.ge @!p0 [sflag:s15], $0x1900  }
0x4c: {  	s22 =	sshra.s32 s21, $0x2;
	[sflag:s15] =	ssyncset.done @!p0 $0x0  }
0x4d: {  	s19 =	simm.s32 $0x4E00;
	s26 =	sadd.s32 $0xE0, s22;
	[sflag:s15] =	ssyncadd.s32 @!p0 $0xFFFFE700  }
0x4e: {  	[tilespmem:s19], [sflag:$0x3] =	stream.indirect.gather [hbm4b:s3+s11], $0x40, s26, s11, $0xb8;
	[tilespmem:$0xE400] =	vst v63  }
0x4f: {  	s25 =	simm.s32 $0xB200  }
0x50: {  	[tilespmem:s25], [sflag:$0x7] =	stream.indirect.gather [hbm4b:s4+s11], $0x40, s26, s11, $0xb8;
	[tilespmem:$0xE400] =	vst v63  }
0x51: {  	s15 =	sadd.s32 $0x118, s22;
	s26 =	simm.s32 $0x5A80  }
0x52: {  	[tilespmem:s26], [sflag:$0x3] =	stream.indirect.gather [hbm4b:s3+s11], $0x40, s15, s11, $0xb8;
	[tilespmem:$0xE400] =	vst v63  }
0x53: {  	s26 =	simm.s32 $0xBE80  }
0x54: {  	[tilespmem:s26], [sflag:$0x7] =	stream.indirect.gather [hbm4b:s4+s11], $0x40, s15, s11, $0xb8;
	[tilespmem:$0xE400] =	vst v63  }
0x55: {  	_ =	swait.ge [sflag:s30], $0xC80  }
0x56: {  	[sflag:s30] =	ssyncset.done $0x0  }
0x57: {  	[sflag:s30] =	ssyncadd.s32 $0xFFFFF380  }
0x58: {  	_ =	swait.ge [sflag:s31], $0xC80  }
0x59: {  	[sflag:s31] =	ssyncset.done $0x0  }
0x5a: {  	[sflag:s31] =	ssyncadd.s32 $0xFFFFF380  }
0x5b: {  	_ =	swait.ge [sflag:s30], $0xC80  }
0x5c: {  	[sflag:s30] =	ssyncset.done $0x0  }
0x5d: {  	[sflag:s30] =	ssyncadd.s32 $0xFFFFF380  }
0x5e: {  	_ =	swait.ge [sflag:s31], $0xC80  }
0x5f: {  	[sflag:s31] =	ssyncset.done $0x0  }
0x60: {  	s26 =	sadd.s32 $0x320, s28;
	[sflag:s31] =	ssyncadd.s32 $0xFFFFF380  }
0x61: {  	[hbm4b:s26+s2] =	stream.linear.scatter [tilespmem:s16], [sflag:$0xA], $0x1900, $0x38;
	[tilespmem:$0xE400] =	vst v63  }
0x62: {  	s15 =	simm.s32 @!p0 $0xC;
	s26 =	sadd.s32 $0x320, s29  }
0x63: {  	[hbm4b:s26+s2] =	stream.linear.scatter [tilespmem:s18], [sflag:$0xE], $0x1900, $0x38;
	[tilespmem:$0xE400] =	vst v63  }
0x64: {  	_ =	swait.ge @!p0 [sflag:s15], $0x1900  }
0x65: {  	[sflag:s15] =	ssyncset.done @!p0 $0x0  }
0x66: {  	[sflag:s15] =	ssyncadd.s32 @!p0 $0xFFFFE700;
	s15 =	simm.s32 @!p0 $0x10  }
0x67: {  	_ =	swait.ge @!p0 [sflag:s15], $0x1900  }
0x68: {  	[sflag:s15] =	ssyncset.done @!p0 $0x0  }
0x69: {  	s16 =	sadd.s32 $0x150, s22;
	[sflag:s15] =	ssyncadd.s32 @!p0 $0xFFFFE700  }
0x6a: {  	[tilespmem:s1], [sflag:$0x4] =	stream.indirect.gather [hbm4b:s3+s11], $0x40, s16, s11, $0xb8;
	[tilespmem:$0xE400] =	vst v63  }
0x6b: {  	_ = 	snop  }
0x6c: {  	[tilespmem:s0], [sflag:$0x8] =	stream.indirect.gather [hbm4b:s4+s11], $0x40, s16, s11, $0xb8;
	[tilespmem:$0xE400] =	vst v63  }
0x6d: {  	s18 =	simm.s32 $0x7380;
	s15 =	sadd.s32 $0x188, s22  }
0x6e: {  	[tilespmem:s18], [sflag:$0x4] =	stream.indirect.gather [hbm4b:s3+s11], $0x40, s15, s11, $0xb8;
	[tilespmem:$0xE400] =	vst v63  }
0x6f: {  	s26 =	simm.s32 $0xD780  }
0x70: {  	[tilespmem:s26], [sflag:$0x8] =	stream.indirect.gather [hbm4b:s4+s11], $0x40, s15, s11, $0xb8;
	[tilespmem:$0xE400] =	vst v63  }
0x71: {  	_ =	swait.ge [sflag:s5], $0xC80  }
0x72: {  	[sflag:s5] =	ssyncset.done $0x0  }
0x73: {  	[sflag:s5] =	ssyncadd.s32 $0xFFFFF380  }
0x74: {  	_ =	swait.ge [sflag:s6], $0xC80  }
0x75: {  	[sflag:s6] =	ssyncset.done $0x0  }
0x76: {  	[sflag:s6] =	ssyncadd.s32 $0xFFFFF380  }
0x77: {  	_ =	swait.ge [sflag:s5], $0xC80  }
0x78: {  	[sflag:s5] =	ssyncset.done $0x0  }
0x79: {  	[sflag:s5] =	ssyncadd.s32 $0xFFFFF380  }
0x7a: {  	_ =	swait.ge [sflag:s6], $0xC80  }
0x7b: {  	[sflag:s6] =	ssyncset.done $0x0  }
0x7c: {  	s18 =	sadd.s32 $0x640, s28;
	[sflag:s6] =	ssyncadd.s32 $0xFFFFF380  }
0x7d: {  	[hbm4b:s18+s2] =	stream.linear.scatter [tilespmem:s19], [sflag:$0xB], $0x1900, $0x38;
	[tilespmem:$0xE400] =	vst v63  }
0x7e: {  	s26 =	sadd.s32 $0x640, s29  }
0x7f: {  	[hbm4b:s26+s2] =	stream.linear.scatter [tilespmem:s25], [sflag:$0xF], $0x1900, $0x38;
	[tilespmem:$0xE400] =	vst v63  }
0x80: {  	_ =	swait.ge [sflag:s8], $0x1900  }
0x81: {  	[sflag:s8] =	ssyncset.done $0x0  }
0x82: {  	p0 =	seq.s32 s21, $0x6900;
	[sflag:s8] =	ssyncadd.s32 $0xFFFFE700  }
0x83: {  	s15 =	sshra.s32 @!p0 s21, $0x2;
	_ =	swait.ge [sflag:s14], $0x1900  }
0x84: {  	s16 =	sadd.s32 @!p0 $0x1C0, s15;
	[sflag:s14] =	ssyncset.done $0x0  }
0x85: {  	s18 =	simm.s32 @!p0 $0x32;
	s19 =	simm.s32 @!p0 $0x1C00;
	[sflag:s14] =	ssyncadd.s32 $0xFFFFE700  }
0x86: {  	[tilespmem:s19], [sflag:$0x1] =	stream.indirect.gather @!p0 [hbm4b:s3+s18], $0x40, s16, s18, $0xb8;
	[tilespmem:$0xE400] =	vst v63  }
0x87: {  	s19 =	simm.s32 @!p0 $0x8000  }
0x88: {  	[tilespmem:s19], [sflag:$0x5] =	stream.indirect.gather @!p0 [hbm4b:s4+s18], $0x40, s16, s18, $0xb8;
	[tilespmem:$0xE400] =	vst v63  }
0x89: {  	s15 =	sadd.s32 @!p0 $0x1F8, s15;
	s16 =	simm.s32 @!p0 $0x2880  }
0x8a: {  	[tilespmem:s16], [sflag:$0x1] =	stream.indirect.gather @!p0 [hbm4b:s3+s18], $0x40, s15, s18, $0xb8;
	[tilespmem:$0xE400] =	vst v63  }
0x8b: {  	s16 =	simm.s32 @!p0 $0x8C80  }
0x8c: {  	[tilespmem:s16], [sflag:$0x5] =	stream.indirect.gather @!p0 [hbm4b:s4+s18], $0x40, s15, s18, $0xb8;
	[tilespmem:$0xE400] =	vst v63  }
0x8d: {  	_ =	swait.ge [sflag:s9], $0xC80  }
0x8e: {  	[sflag:s9] =	ssyncset.done $0x0  }
0x8f: {  	[sflag:s9] =	ssyncadd.s32 $0xFFFFF380  }
0x90: {  	_ =	swait.ge [sflag:s17], $0xC80  }
0x91: {  	[sflag:s17] =	ssyncset.done $0x0  }
0x92: {  	[sflag:s17] =	ssyncadd.s32 $0xFFFFF380  }
0x93: {  	_ =	swait.ge [sflag:s9], $0xC80  }
0x94: {  	[sflag:s9] =	ssyncset.done $0x0  }
0x95: {  	[sflag:s9] =	ssyncadd.s32 $0xFFFFF380  }
0x96: {  	_ =	swait.ge [sflag:s17], $0xC80  }
0x97: {  	[sflag:s17] =	ssyncset.done $0x0  }
0x98: {  	s28 =	sadd.s32 $0x960, s28;
	[sflag:s17] =	ssyncadd.s32 $0xFFFFF380  }
0x99: {  	[hbm4b:s28+s2] =	stream.linear.scatter [tilespmem:s1], [sflag:$0xC], $0x1900, $0x38;
	[tilespmem:$0xE400] =	vst v63  }
0x9a: {  	s29 =	sadd.s32 $0x960, s29  }
0x9b: {  	[hbm4b:s29+s2] =	stream.linear.scatter [tilespmem:s0], [sflag:$0x10], $0x1900, $0x38;
	[tilespmem:$0xE400] =	vst v63  }
0x9c: {  	_ =	swait.ge [sflag:s20], $0x1900  }
.Ltmp2:
0x9d: {  	[sflag:s20] =	ssyncset.done $0x0;
	(pc) =	sbr.rel @p0 .LBB2_4-.Ltmp2, $4  }
0x9e: {  	[sflag:s20] =	ssyncadd.s32 $0xFFFFE700  }
0x9f: {  	_ =	swait.ge [sflag:s10], $0x1900  }
0xa0: {  	[sflag:s10] =	ssyncset.done $0x0  }
0xa1: {  	s25 =	simm.s32 $0x3500;
	s26 =	simm.s32 $0x9900;
	[sflag:s10] =	ssyncadd.s32 $0xFFFFE700  }
0xa2: {  	s15 =	sadd.s32 $0x230, s22  }
0xa3: {  	[tilespmem:s25], [sflag:$0x2] =	stream.indirect.gather [hbm4b:s3+s11], $0x40, s15, s11, $0xb8;
	[tilespmem:$0xE400] =	vst v63  }
0xa4: {  	_ = 	snop  }
0xa5: {  	[tilespmem:s26], [sflag:$0x6] =	stream.indirect.gather [hbm4b:s4+s11], $0x40, s15, s11, $0xb8;
	[tilespmem:$0xE400] =	vst v63  }
.Ltmp3:
0xa6: {  	s28 =	sadd.s32 $0x268, s22;
	s16 =	simm.s32 $0x4180;
	(pc) =	sbr.rel .LBB2_2-.Ltmp3, $4  }
0xa7: {  	s29 =	simm.s32 $0xA580;
	s21 =	sadd.s32 $0x700, s21;
	s13 =	sadd.s32 $0xC80, s13  }
0xa8: {  	[tilespmem:s16], [sflag:$0x2] =	stream.indirect.gather [hbm4b:s3+s11], $0x40, s28, s11, $0xb8;
	[tilespmem:$0xE400] =	vst v63  }
0xa9: {  	s12 =	sadd.s32 $0xC80, s12;
	s18 =	simm.s32 $0x9900;
	s16 =	simm.s32 $0x3500  }
0xaa: {  	[tilespmem:s29], [sflag:$0x6] =	stream.indirect.gather [hbm4b:s4+s11], $0x40, s28, s11, $0xb8;
	[tilespmem:$0xE400] =	vst v63  }
.LBB2_5:
0xab: {  	_ =	sfence.sel $0x180000  }
0xac: {  	[bflag:$0x0] =	sbarrier.arrive $0xFFFF  }
0xad: {  	_ =	strace $0x90000047  }
0xae: {  	s0 =	stileid.u32;
	[bflag:$0x2] =	sbarrier.arrive $0xFFFF  }
0xaf: {  	p0 =	sne.s32 s0, $0x0;
	s0 =	rddreg [dreg:$0x3]  }
0xb0: {  	s0 =	sadd.s32 @!p0 $0x100000, s0  }
0xb1: {  	[sflag:s0] =	ssyncadd.tile.s32 @!p0 $0x1;
	_ =	shalt  }
.Lfunc_end2:
_tile_overlayer_lowered:
.L_overlay_start_2:
0xb2: {  	(tag) =	ssettag $0x2  }
0xb3: {  	s0 =	rddreg [dreg:$0x0];
	s2 =	stileid.u32  }
0xb4: {  	s1 =	rddreg [dreg:$0x1];
	p0 =	sne.s32 s2, $0x0  }
0xb5: {  	s3 =	rddreg [dreg:$0x2];
	[bflag:$0x3] =	sbarrier.arrive $0xFFFF;
	s2 =	simm.s32 @!p0 $0x1C11  }
0xb6: {  	[timem:s3], [sflag:s2] =	dma.local @!p0 [hbm:s0], s1  }
0xb7: {  	s0 =	simm.s32 @!p0 $0x11  }
0xb8: {  	_ =	swait.ge @!p0 [sflag:s0], s1  }
0xb9: {  	s1 =	ssub.s32 @!p0 $0x0, s1;
	[sflag:s0] =	ssyncset.done @!p0 $0x0  }
0xba: {  	[sflag:s0] =	ssyncadd.s32 @!p0 s1  }
0xbb: {  	[bflag:$0x3] =	sbarrier.arrive $0xFFFF  }
0xbc: {  	_ =	shalt  }

// kernel: sparse-core-data-format-call.1.cloned.1.call-start
scs
called_computation.1_lowered:
.L_overlay_start_0:
0x0: {  	s2 =	sld [smem:$0x3FD9]  }
0x1: {  	s3 =	sld [smem:$0x3FFE];
	_ =	sdelay $0x1  }
0x2: {  	s1 =	srdreg.scid  }
0x3: {  	s0 =	sand.u32 $0x1, s1  }
0x4: {  	s16 =	sshll.u32 s0, $0xA;
	s2 =	sadd.s32 s3, s2  }
0x5: {  	s2 =	sadd.s32 s2, s16  }
0x6: {  	[smem:$0x3FC5] =	sst s2  }
0x7: {  	_ = 	snop  }
0x8: {  	s2 =	sld [smem:$0x3FD0];
	_ =	sdelay $0x2  }
0x9: {  	s17 =	simm.s32 $0xB;
	s4 =	simm.s32 $0x10  }
0xa: {  	[smem:s4], [sflag:s17] =	dma.local [hbm:s2], $0x1  }
0xb: {  	_ =	swait.eq [sflag:s17], $0x1  }
0xc: {  	[sflag:s17] =	ssyncset.done $0x0  }
0xd: {  	[sflag:s17] =	ssyncadd.s32 $0xFFFFFFFF  }
0xe: {  	s18 =	sld [smem:$0x10];
	(tm) =	ssettm $0x1  }
0xf: {  	s19 =	sld [smem:$0x3FFB];
	_ =	sdelay $0x3  }
0x10: {  	_ =	strace s19  }
0x11: {  	s2 =	sld [smem:$0x3FFC];
	_ =	sdelay $0x3  }
0x12: {  	_ =	strace s2  }
0x13: {  	s2 =	sld [smem:$0x3FFD];
	_ =	sdelay $0x3  }
0x14: {  	_ =	strace s2  }
0x15: {  	_ =	strace $0x8FFFFFFF  }
0x16: {  	s20 =	sld [smem:$0x3FDB];
	_ =	sdelay $0x1  }
0x17: {  	s21 =	simm.s32 $_scs_section_size  }
0x18: {  	s5 =	simm.s32 $_size__tile_overlayer_lowered;
	s6 =	simm.s32 $_tile_overlayer_lowered  }
0x19: {  	s7 =	simm.s32 $0x1BFF;
	s22 =	sshll.u32 s6, $0x1;
	s4 =	sadd.s32 s21, s20  }
0x1a: {  	s23 =	simm.s32 $0x0;
	s5 =	sshll.u32 s5, $0x1;
	s6 =	sadd.s32 s22, s4  }
0x1b: {  	[timem:s23], [sflag:s7] =	dma.local [hbm:s6], s5  }
0x1c: {  	_ =	swait.ge [sflag:s7], s5  }
0x1d: {  	s5 =	ssub.s32 $0x0, s5;
	[sflag:s7] =	ssyncset.done $0x0  }
0x1e: {  	[sflag:s7] =	ssyncadd.s32 s5;
	_ =	sdelay $0x1  }
0x1f: {  	s24 =	simm.s32 $0x1B8B  }
0x20: {  	_ =	swait.ge [sflag:s24], $0x1  }
0x21: {  	[sflag:s24] =	ssyncset.done $0x0  }
0x22: {  	[sflag:s24] =	ssyncadd.s32 $0xFFFFFFFF  }
0x23: {  	s5 =	sld [smem:$0x0]  }
0x24: {  	s6 =	sand.u32 $0xFFFFFFFE, s1  }
0x25: {  	p0 =	sne.s32 s1, s6  }
0x26: {  	s6 =	sshll.u32 @p0 s6, $0xE  }
0x27: {  	s6 =	sadd.s32 @p0 $0x11B8D, s6;
	s7 =	sshll.u32 @p0 s5, $0x11  }
0x28: {  	s6 =	sor.u32 @p0 s7, s6  }
0x29: {  	[sflag:s6] =	ssyncadd.remote.s32 @p0 $0x1;
	_ =	sdelay $0x1  }
0x2a: {  	s6 =	simm.s32 @p0 $0x1B8D  }
0x2b: {  	_ =	swait.eq @p0 [sflag:s6], $0x1  }
0x2c: {  	[sflag:s6] =	ssyncadd.s32 @p0 $0xFFFFFFFF  }
0x2d: {  	s7 =	sshll.u32 @!p0 s1, $0xE  }
0x2e: {  	s7 =	sor.u32 @!p0 $0x4000, s7;
	s6 =	simm.s32 @!p0 $0x1B8D  }
0x2f: {  	s5 =	sshll.u32 @!p0 s5, $0x11;
	s7 =	sadd.s32 @!p0 $0x11B8D, s7;
	_ =	swait.eq @!p0 [sflag:s6], $0x1  }
0x30: {  	s5 =	sor.u32 @!p0 s5, s7;
	[sflag:s6] =	ssyncadd.s32 @!p0 $0xFFFFFFFF  }
0x31: {  	s26 =	simm.s32 $0x1B8E;
	s25 =	sld [smem:$0x3FFE];
	[sflag:s5] =	ssyncadd.remote.s32 @!p0 $0x1  }
0x32: {  	s27 =	simm.s32 $execute0_lowered;
	[smem:$0x3FD2] =	sst s26  }
0x33: {  	s6 =	sshll.u32 s27, $0x1;
	_ =	strace $0x8000004C;
	[dreg:$0x1] =	wrdreg $0xFFFFFFFF  }
0x34: {  	s28 =	simm.s32 $_size_execute0_lowered;
	s4 =	sadd.s32 s4, s6;
	[dreg:$0x0] =	wrdreg $0x0  }
0x35: {  	s6 =	sshll.u32 s28, $0x1;
	[dreg:$0x2] =	wrdreg s4  }
0x36: {  	[dreg:$0x3] =	wrdreg s6  }
0x37: {  	[dreg:$0x4] =	wrdreg $0xC0  }
0x38: {  	_ =	task [dreg:s23], $0x5FFFF  }
0x39: {  	[dreg:$0x1] =	wrdreg $0xFFFFFFFF  }
0x3a: {  	[dreg:$0x0] =	wrdreg $0x60  }
0x3b: {  	[dreg:$0x2] =	wrdreg s25  }
0x3c: {  	[dreg:$0x3] =	wrdreg s18  }
0x3d: {  	[dreg:$0x4] =	wrdreg $0xA  }
0x3e: {  	_ =	task.clear_ibuf [dreg:s23], $0x5FFFF;
	_ =	strace $0x9000004C  }
0x3f: {  	s29 =	simm.s32 $0xA;
	_ =	strace $0x8000004E  }
0x40: {  	_ =	swait.ge [sflag:s29], $0x1  }
0x41: {  	[sflag:s29] =	ssyncadd.s32 $0xFFFFFFFF  }
0x42: {  	_ =	strace $0x9000004E  }
0x43: {  	_ =	sfence  }
0x44: {  	s30 =	sld [smem:$0x0];
	_ =	sdelay $0x2  }
0x45: {  	s31 =	sshll.u32 s1, $0xD;
	s1 =	sshrl.u32 s1, $0x2  }
0x46: {  	s4 =	sand.u32 $0x4000, s31;
	s1 =	sadd.s32 s1, s30  }
0x47: {  	s0 =	sor.u32 s4, s0;
	s1 =	sshll.u32 s1, $0x11  }
0x48: {  	s0 =	sor.u32 s1, s0  }
0x49: {  	s0 =	sadd.s32 $0x8F2B, s0  }
0x4a: {  	[sflag:s0] =	ssyncadd.remote.s32 $0x1  }
0x4b: {  	_ =	sfence.sel $0xFFFF  }
0x4c: {  	[dreg:$0x0] =	wrdreg $0xFFFFFFFF;
	(pc) =	sbr.abs _section_cstart, $3  }
0x4d: {  	[dreg:$0x1] =	wrdreg $0xFFFFFFFF  }
0x4e: {  	_ =	task.clear_ibuf [dreg:s23], $0x2FFFF;
	_ =	strace $0x9FFFFFFF  }
0x4f: {  	(tm) =	ssettm $0x7FFFFFFF  }
tec
execute0_lowered:
.L_overlay_start_1:
0x0: {  	(tag) =	ssettag $0x1  }
0x1: {  	s0 =	srdreg.scid  }
0x2: {  	s1 =	sshll.u32 s0, $0x4  }
0x3: {  	s0 =	stileid.u32;
	s1 =	sand.u32 $0x10, s1  }
0x4: {  	s1 =	sor.u32 s0, s1  }
0x5: {  	s6 =	rddreg [dreg:$0x0];
	s4 =	simm.s32 $0x1;
	s2 =	sshll.u32 s1, $0x7  }
0x6: {  	s7 =	simm.s32 $0x2;
	s12 =	simm.s32 $0x0;
	s1 =	ssub.s32 $0x1000, s2  }
0x7: {  	s8 =	simm.s32 $0x8000;
	s13 =	simm.s32 $0x0;
	s3 =	sand.u32 $0xF80, s1  }
0x8: {  	s9 =	simm.s32 $0x0;
	s5 =	sshrl.u32 s1, $0xC;
	p0 =	sne.s32 s3, $0x0  }
.Ltmp0:
0x9: {  	s1 =	rddreg [dreg:$0x2];
	s4 =	simm.s32 @!p0 $0x0;
	(pc) =	sbr.rel .LBB1_1-.Ltmp0, $4  }
0xa: {  	s11 =	simm.s32 $0x0;
	s3 =	rddreg [dreg:$0x1];
	s5 =	sadd.s32 s4, s5  }
0xb: {  	_ =	strace $0x8000004D;
	s4 =	simm.s32 $0x1;
	s5 =	smul.u32 $0x32, s5  }
0xc: {  	s6 =	sadd.s32 $0x382C00, s6;
	s10 =	smov.u32 s2;
	[sflag:s4] =	ssyncpa.u1 $0x0  }
0xd: {  	p0 =	por $0x0, $0x0;
	[sflag:s7] =	ssyncpa.u1 $0x0;
	s7 =	sor.u32 $0x1, s5  }
.LBB1_4:
0xe: {  	s16 =	sshll.u32 s13, $0x3;
	s17 =	sand.u32 $0x78, s13  }
0xf: {  	s30 =	sand.u32 $0x7E00, s13;
	s12 =	sshll.u32 s12, $0xF;
	s16 =	sand.u32 $0xC00, s16  }
0x10: {  	[tilespmem:s15+$0x810 ss:$0x81] =	vst.msk $0xffff, v2;
	s31 =	sand.u32 $0x7, s13;
	s16 =	sor.u32 s17, s16;
	s17 =	sadd.s32 s3, s30  }
0x11: {  	[tilespmem:s15+$0x1020 ss:$0x81] =	vst.msk $0xffff, v0;
	s13 =	sshll.u32 s31, $0x12;
	s12 =	sadd.s32 s12, s17;
	s16 =	sshrl.u32 s16, $0x3  }
0x12: {  	[tilespmem:s15+$0x0 ss:$0x81] =	vst.msk $0xffff, v1;
	s13 =	sor.u32 $0x400, s13;
	s12 =	sadd.s32 s16, s12  }
0x13: {  	[hbm4b:s12+s13] =	stream.strided.scatter [tilespmem:s14], [sflag:$0x2], $0x2000, s8, s13, $0x20;
	[tilespmem:$0x8080] =	vst v63  }
.LBB1_5:
0x14: {  	s14 =	sadd.s32 $0x1, s9  }
0x15: {  	s12 =	sadd.s32 $0x1000, s10;
	s16 =	smov.u32 s10;
	p2 =	sgt.s32 s14, $0x31  }
0x16: {  	s16 =	smov.u32 @p2 s12  }
0x17: {  	s14 =	simm.s32 @p2 $0x0;
	p2 =	sgt.s32 s16, $0xFFF  }
0x18: {  	s16 =	smov.u32 @p2 s2;
	p2 =	sne.s32 s11, s7  }
.Ltmp1:
0x19: {  	p1 =	slt.u32 s11, $0x2;
	(pc) =	sbr.rel @!p2 .LBB1_6-.Ltmp1, $4  }
0x1a: {  	s15 =	simm.s32 @!p1 $0x2  }
0x1b: {  	s13 =	smov.u32 s10;
	p0 =	por !p0, !p0;
	_ =	swait.ge @!p1 [sflag:s15], $0x2000  }
0x1c: {  	s12 =	smov.u32 s9;
	[sflag:s15] =	ssyncset.done @!p1 $0x0;
	s9 =	smov.u32 s14  }
0x1d: {  	s11 =	sadd.s32 $0x1, s11;
	[sflag:s15] =	ssyncadd.s32 @!p1 $0xFFFFE000;
	s10 =	smov.u32 s16  }
.LBB1_1:
0x1e: {  	p1 =	sge.u32 s11, s5  }
0x1f: {  	s14 =	sand.u32 @!p1 $0x1FFFFFF, s9  }
0x20: {  	s15 =	smulhi.u32 @!p1 $0x4924925, s14;
	_ =	sdelay $0x1  }
0x21: {  	s15 =	smul.u32 @!p1 $0x38, s15  }
0x22: {  	s16 =	sxor.u32 @!p1 $0xFFFFFFFF, s11;
	s17 =	smul.u32 @!p1 $0x380, s10  }
0x23: {  	s31 =	sadd.s32 $0xFFFFFFFF, s11;
	s16 =	sshll.u32 @!p1 s16, $0xD;
	s14 =	ssub.s32 @!p1 s14, s15  }
0x24: {  	s15 =	sand.u32 @!p1 $0x2000, s16;
	s16 =	sadd.s32 @!p1 s6, s17;
	s14 =	sshll.u32 @!p1 s14, $0x4  }
0x25: {  	s17 =	simm.s32 @!p1 $0x1C00;
	s14 =	sadd.s32 @!p1 s14, s16;
	s16 =	simm.s32 @!p1 $0x40  }
0x26: {  	[tilespmem:s15], [sflag:$0x1] =	stream.strided.gather @!p1 [hbm4b:s14+s16], $0x2000, s17, s16, $0x38;
	[tilespmem:$0x8080] =	vst v63  }
0x27: {  	p1 =	sge.u32 s31, s5  }
.Ltmp2:
0x28: {  	_ = 	snop;
	(pc) =	sbr.rel @p1 .LBB1_5-.Ltmp2, $1  }
0x29: {  	_ =	sdelay $0x3  }
0x2a: {  	s14 =	simm.s32 $0x1  }
0x2b: {  	_ =	swait.ge [sflag:s4], $0x2000;
	s14 =	simm.s32 @!p0 $0x0  }
0x2c: {  	[sflag:s4] =	ssyncset.done $0x0;
	s15 =	sshll.u32 s14, $0xD  }
0x2d: {  	[sflag:s4] =	ssyncadd.s32 $0xFFFFE000;
	s18 =	sor.u32 $0x20, s15  }
0x2e: {  	s14 =	smul.u32 $0x8100, s14;
	v3 =	vld [tilespmem:s18+$0x10]  }
0x2f: {  	s30 =	sand.u32 $0x1, s11;
	v2 =	vld [tilespmem:s18+$0xFFFFFFF0]  }
0x30: {  	s15 =	smul.u32 $0x8100, s30;
	s14 =	sshrl.u32 s14, $0x2;
	v0 =	vld [tilespmem:s18+$0x0]  }
0x31: {  	v1 =	vld [tilespmem:s18+$0xFFFFFFE0];
	s16 =	sor.u32 $0x4000, s14  }
0x32: {  	s31 =	sshrl.u32 s15, $0x2;
	s15 =	sadd.s32 $0x0, s16  }
0x33: {  	s17 =	simm.s32 $0x4;
	s18 =	sadd.s32 $0x40, s18;
	s14 =	sor.u32 $0x4000, s31;
	[tilespmem:s15+$0x1830 ss:$0x81] =	vst.msk $0xffff, v3  }
.LBB1_3:
0x34: {  	v3 =	vld [tilespmem:s18+$0x10];
	p1 =	sne.s32 s17, $0x1FC;
	[tilespmem:s15+$0x810 ss:$0x81] =	vst.msk $0xffff, v2;
	s19 =	smov.u32 s17;
	s17 =	sadd.s32 $0x4, s17  }
.Ltmp3:
0x35: {  	v2 =	vld [tilespmem:s18+$0xFFFFFFF0];
	[tilespmem:s15+$0x1020 ss:$0x81] =	vst.msk $0xffff, v0;
	(pc) =	sbr.rel @p1 .LBB1_3-.Ltmp3, $4  }
0x36: {  	v0 =	vld [tilespmem:s18+$0x0];
	[tilespmem:s15+$0x0 ss:$0x81] =	vst.msk $0xffff, v1  }
0x37: {  	s15 =	sshra.s32 s19, $0x2;
	v1 =	vld [tilespmem:s18+$0xFFFFFFE0]  }
0x38: {  	s15 =	sadd.s32 s15, s16  }
0x39: {  	s18 =	sadd.s32 $0x40, s18;
	[tilespmem:s15+$0x1830 ss:$0x81] =	vst.msk $0xffff, v3  }
.Ltmp4:
0x3a: {  	_ = 	snop;
	(pc) =	sbr.rel .LBB1_4-.Ltmp4, $1  }
0x3b: {  	_ =	sdelay $0x3  }
.LBB1_6:
0x3c: {  	_ =	sfence.sel $0x180000  }
0x3d: {  	s2 =	simm.s32 $0x1;
	[bflag:$0x0] =	sbarrier.arrive $0xFFFF  }
0x3e: {  	s31 =	simm.s32 $0x2;
	[sflag:s2] =	ssyncpa.u1 $0x1  }
0x3f: {  	[sflag:s31] =	ssyncpa.u1 $0x1  }
0x40: {  	p0 =	sne.s32 s0, $0x0;
	_ =	strace $0x9000004D  }
0x41: {  	s0 =	sadd.s32 @!p0 $0x100000, s1;
	[bflag:$0x2] =	sbarrier.arrive $0xFFFF  }
0x42: {  	[sflag:s0] =	ssyncadd.tile.s32 @!p0 $0x1;
	_ =	shalt  }
.Lfunc_end1:
_tile_overlayer_lowered:
.L_overlay_start_2:
0x43: {  	(tag) =	ssettag $0x2  }
0x44: {  	s0 =	rddreg [dreg:$0x0];
	s2 =	stileid.u32  }
0x45: {  	s1 =	rddreg [dreg:$0x1];
	p0 =	sne.s32 s2, $0x0  }
0x46: {  	s3 =	rddreg [dreg:$0x2];
	[bflag:$0x3] =	sbarrier.arrive $0xFFFF;
	s2 =	simm.s32 @!p0 $0x1C01  }
0x47: {  	[timem:s3], [sflag:s2] =	dma.local @!p0 [hbm:s0], s1  }
0x48: {  	s0 =	simm.s32 @!p0 $0x1  }
0x49: {  	_ =	swait.ge @!p0 [sflag:s0], s1  }
0x4a: {  	s1 =	ssub.s32 @!p0 $0x0, s1;
	[sflag:s0] =	ssyncset.done @!p0 $0x0  }
0x4b: {  	[sflag:s0] =	ssyncadd.s32 @!p0 s1  }
0x4c: {  	[bflag:$0x3] =	sbarrier.arrive $0xFFFF  }
0x4d: {  	_ =	shalt  }

// kernel: sparse-core-data-format-call.cloned.1.call-start
scs
called_computation_lowered:
.L_overlay_start_0:
0x0: {  	s2 =	sld [smem:$0x3FD9]  }
0x1: {  	s3 =	sld [smem:$0x3FFE];
	_ =	sdelay $0x1  }
0x2: {  	s1 =	srdreg.scid  }
0x3: {  	s0 =	sand.u32 $0x1, s1  }
0x4: {  	s15 =	sshll.u32 s0, $0xA;
	s2 =	sadd.s32 s3, s2  }
0x5: {  	s2 =	sadd.s32 s2, s15  }
0x6: {  	[smem:$0x3FC5] =	sst s2  }
0x7: {  	_ = 	snop  }
0x8: {  	s2 =	sld [smem:$0x3FD0];
	_ =	sdelay $0x2  }
0x9: {  	s16 =	simm.s32 $0xB;
	s4 =	simm.s32 $0x10  }
0xa: {  	[smem:s4], [sflag:s16] =	dma.local [hbm:s2], $0x1  }
0xb: {  	_ =	swait.eq [sflag:s16], $0x1  }
0xc: {  	[sflag:s16] =	ssyncset.done $0x0  }
0xd: {  	[sflag:s16] =	ssyncadd.s32 $0xFFFFFFFF  }
0xe: {  	s17 =	sld [smem:$0x11];
	(tm) =	ssettm $0x1  }
0xf: {  	s18 =	sld [smem:$0x3FFB];
	_ =	sdelay $0x3  }
0x10: {  	_ =	strace s18  }
0x11: {  	s3 =	sld [smem:$0x3FFC];
	_ =	sdelay $0x3  }
0x12: {  	_ =	strace s3  }
0x13: {  	s3 =	sld [smem:$0x3FFD];
	_ =	sdelay $0x3  }
0x14: {  	_ =	strace s3  }
0x15: {  	_ =	strace $0x8FFFFFFF  }
0x16: {  	s19 =	sld [smem:$0x3FDB];
	_ =	sdelay $0x1  }
0x17: {  	s20 =	simm.s32 $_scs_section_size  }
0x18: {  	s5 =	simm.s32 $_size__tile_overlayer_lowered;
	s6 =	simm.s32 $_tile_overlayer_lowered  }
0x19: {  	s23 =	simm.s32 $0x1BFF;
	s22 =	sshll.u32 s6, $0x1;
	s3 =	sadd.s32 s20, s19  }
0x1a: {  	s7 =	simm.s32 $0x0;
	s21 =	sshll.u32 s5, $0x1;
	s5 =	sadd.s32 s22, s3  }
0x1b: {  	[timem:s7], [sflag:s23] =	dma.local [hbm:s5], s21  }
0x1c: {  	_ =	swait.ge [sflag:s23], s21  }
0x1d: {  	s4 =	ssub.s32 $0x0, s21;
	[sflag:s23] =	ssyncset.done $0x0  }
0x1e: {  	[sflag:s23] =	ssyncadd.s32 s4;
	_ =	sdelay $0x1  }
0x1f: {  	s24 =	simm.s32 $0x1B8B  }
0x20: {  	_ =	swait.ge [sflag:s24], $0x1  }
0x21: {  	[sflag:s24] =	ssyncset.done $0x0  }
0x22: {  	s26 =	simm.s32 $0x1B8E;
	s25 =	sld [smem:$0x3FFE];
	[sflag:s24] =	ssyncadd.s32 $0xFFFFFFFF  }
0x23: {  	s27 =	simm.s32 $execute0_lowered;
	[smem:$0x3FD2] =	sst s26  }
0x24: {  	s5 =	sshll.u32 s27, $0x1;
	_ =	strace $0x80000049;
	[dreg:$0x1] =	wrdreg $0xFFFFFFFF  }
0x25: {  	s28 =	simm.s32 $_size_execute0_lowered;
	s3 =	sadd.s32 s3, s5;
	[dreg:$0x0] =	wrdreg $0x0  }
0x26: {  	s5 =	sshll.u32 s28, $0x1;
	[dreg:$0x2] =	wrdreg s3  }
0x27: {  	[dreg:$0x3] =	wrdreg s5  }
0x28: {  	[dreg:$0x4] =	wrdreg $0xC0  }
0x29: {  	_ =	task [dreg:s7], $0x5FFFF  }
0x2a: {  	[dreg:$0x1] =	wrdreg $0xFFFFFFFF  }
0x2b: {  	[dreg:$0x0] =	wrdreg $0x60  }
0x2c: {  	[dreg:$0x2] =	wrdreg s25  }
0x2d: {  	[dreg:$0x3] =	wrdreg s17  }
0x2e: {  	[dreg:$0x4] =	wrdreg $0x9  }
0x2f: {  	_ =	task.clear_ibuf [dreg:s7], $0x5FFFF;
	_ =	strace $0x90000049  }
0x30: {  	s29 =	simm.s32 $0x9;
	_ =	strace $0x8000004B  }
0x31: {  	_ =	swait.ge [sflag:s29], $0x1  }
0x32: {  	[sflag:s29] =	ssyncadd.s32 $0xFFFFFFFF  }
0x33: {  	_ =	strace $0x9000004B  }
0x34: {  	_ =	sfence  }
0x35: {  	s30 =	sld [smem:$0x0];
	_ =	sdelay $0x2  }
0x36: {  	s31 =	sshll.u32 s1, $0xD;
	s1 =	sshrl.u32 s1, $0x2  }
0x37: {  	s3 =	sand.u32 $0x4000, s31;
	s1 =	sadd.s32 s1, s30  }
0x38: {  	s0 =	sor.u32 s3, s0;
	s1 =	sshll.u32 s1, $0x11  }
0x39: {  	s0 =	sor.u32 s1, s0  }
0x3a: {  	s0 =	sadd.s32 $0x8F2B, s0  }
0x3b: {  	[sflag:s0] =	ssyncadd.remote.s32 $0x1  }
0x3c: {  	_ =	sfence.sel $0xFFFF  }
0x3d: {  	[dreg:$0x0] =	wrdreg $0xFFFFFFFF;
	(pc) =	sbr.abs _section_cstart, $3  }
0x3e: {  	[dreg:$0x1] =	wrdreg $0xFFFFFFFF  }
0x3f: {  	_ =	task.clear_ibuf [dreg:s7], $0x2FFFF;
	_ =	strace $0x9FFFFFFF  }
0x40: {  	(tm) =	ssettm $0x7FFFFFFF  }
0x41: {  	_ =	shalt  }
tec
execute0_lowered:
.L_overlay_start_1:
0x0: {  	(tag) =	ssettag $0x1  }
0x1: {  	s0 =	srdreg.scid  }
0x2: {  	s1 =	sshll.u32 s0, $0x4  }
0x3: {  	s0 =	stileid.u32;
	s1 =	sand.u32 $0x10, s1  }
0x4: {  	s1 =	sor.u32 s0, s1  }
0x5: {  	s6 =	rddreg [dreg:$0x0];
	s4 =	simm.s32 $0x1;
	s2 =	sshll.u32 s1, $0x7  }
0x6: {  	s7 =	simm.s32 $0x2;
	s12 =	simm.s32 $0x0;
	s1 =	ssub.s32 $0x1000, s2  }
0x7: {  	s8 =	simm.s32 $0x8000;
	s13 =	simm.s32 $0x0;
	s3 =	sand.u32 $0xF80, s1  }
0x8: {  	s9 =	simm.s32 $0x0;
	s5 =	sshrl.u32 s1, $0xC;
	p0 =	sne.s32 s3, $0x0  }
.Ltmp0:
0x9: {  	s1 =	rddreg [dreg:$0x2];
	s4 =	simm.s32 @!p0 $0x0;
	(pc) =	sbr.rel .LBB1_1-.Ltmp0, $4  }
0xa: {  	s11 =	simm.s32 $0x0;
	s3 =	rddreg [dreg:$0x1];
	s5 =	sadd.s32 s4, s5  }
0xb: {  	_ =	strace $0x8000004A;
	s4 =	simm.s32 $0x1;
	s5 =	smul.u32 $0x32, s5  }
0xc: {  	s6 =	sadd.s32 $0x2C00, s6;
	s10 =	smov.u32 s2;
	[sflag:s4] =	ssyncpa.u1 $0x0  }
0xd: {  	p0 =	por $0x0, $0x0;
	[sflag:s7] =	ssyncpa.u1 $0x0;
	s7 =	sor.u32 $0x1, s5  }
.LBB1_4:
0xe: {  	s16 =	sshll.u32 s13, $0x3;
	s17 =	sand.u32 $0x78, s13  }
0xf: {  	s30 =	sand.u32 $0x7E00, s13;
	s12 =	sshll.u32 s12, $0xF;
	s16 =	sand.u32 $0xC00, s16  }
0x10: {  	[tilespmem:s15+$0x810 ss:$0x81] =	vst.msk $0xffff, v2;
	s31 =	sand.u32 $0x7, s13;
	s16 =	sor.u32 s17, s16;
	s17 =	sadd.s32 s3, s30  }
0x11: {  	[tilespmem:s15+$0x1020 ss:$0x81] =	vst.msk $0xffff, v0;
	s13 =	sshll.u32 s31, $0x12;
	s12 =	sadd.s32 s12, s17;
	s16 =	sshrl.u32 s16, $0x3  }
0x12: {  	[tilespmem:s15+$0x0 ss:$0x81] =	vst.msk $0xffff, v1;
	s13 =	sor.u32 $0x400, s13;
	s12 =	sadd.s32 s16, s12  }
0x13: {  	[hbm4b:s12+s13] =	stream.strided.scatter [tilespmem:s14], [sflag:$0x2], $0x2000, s8, s13, $0x20;
	[tilespmem:$0x8080] =	vst v63  }
.LBB1_5:
0x14: {  	s14 =	sadd.s32 $0x1, s9  }
0x15: {  	s12 =	sadd.s32 $0x1000, s10;
	s16 =	smov.u32 s10;
	p2 =	sgt.s32 s14, $0x31  }
0x16: {  	s16 =	smov.u32 @p2 s12  }
0x17: {  	s14 =	simm.s32 @p2 $0x0;
	p2 =	sgt.s32 s16, $0xFFF  }
0x18: {  	s16 =	smov.u32 @p2 s2;
	p2 =	sne.s32 s11, s7  }
.Ltmp1:
0x19: {  	p1 =	slt.u32 s11, $0x2;
	(pc) =	sbr.rel @!p2 .LBB1_6-.Ltmp1, $4  }
0x1a: {  	s15 =	simm.s32 @!p1 $0x2  }
0x1b: {  	s13 =	smov.u32 s10;
	p0 =	por !p0, !p0;
	_ =	swait.ge @!p1 [sflag:s15], $0x2000  }
0x1c: {  	s12 =	smov.u32 s9;
	[sflag:s15] =	ssyncset.done @!p1 $0x0;
	s9 =	smov.u32 s14  }
0x1d: {  	s11 =	sadd.s32 $0x1, s11;
	[sflag:s15] =	ssyncadd.s32 @!p1 $0xFFFFE000;
	s10 =	smov.u32 s16  }
.LBB1_1:
0x1e: {  	p1 =	sge.u32 s11, s5  }
0x1f: {  	s14 =	sand.u32 @!p1 $0x1FFFFFF, s9  }
0x20: {  	s15 =	smulhi.u32 @!p1 $0x4924925, s14;
	_ =	sdelay $0x1  }
0x21: {  	s15 =	smul.u32 @!p1 $0x38, s15  }
0x22: {  	s16 =	sxor.u32 @!p1 $0xFFFFFFFF, s11;
	s17 =	smul.u32 @!p1 $0x380, s10  }
0x23: {  	s31 =	sadd.s32 $0xFFFFFFFF, s11;
	s16 =	sshll.u32 @!p1 s16, $0xD;
	s14 =	ssub.s32 @!p1 s14, s15  }
0x24: {  	s15 =	sand.u32 @!p1 $0x2000, s16;
	s16 =	sadd.s32 @!p1 s6, s17;
	s14 =	sshll.u32 @!p1 s14, $0x4  }
0x25: {  	s17 =	simm.s32 @!p1 $0x1C00;
	s14 =	sadd.s32 @!p1 s14, s16;
	s16 =	simm.s32 @!p1 $0x40  }
0x26: {  	[tilespmem:s15], [sflag:$0x1] =	stream.strided.gather @!p1 [hbm4b:s14+s16], $0x2000, s17, s16, $0x38;
	[tilespmem:$0x8080] =	vst v63  }
0x27: {  	p1 =	sge.u32 s31, s5  }
.Ltmp2:
0x28: {  	_ = 	snop;
	(pc) =	sbr.rel @p1 .LBB1_5-.Ltmp2, $1  }
0x29: {  	_ =	sdelay $0x3  }
0x2a: {  	s14 =	simm.s32 $0x1  }
0x2b: {  	_ =	swait.ge [sflag:s4], $0x2000;
	s14 =	simm.s32 @!p0 $0x0  }
0x2c: {  	[sflag:s4] =	ssyncset.done $0x0;
	s15 =	sshll.u32 s14, $0xD  }
0x2d: {  	[sflag:s4] =	ssyncadd.s32 $0xFFFFE000;
	s18 =	sor.u32 $0x20, s15  }
0x2e: {  	s14 =	smul.u32 $0x8100, s14;
	v3 =	vld [tilespmem:s18+$0x10]  }
0x2f: {  	s30 =	sand.u32 $0x1, s11;
	v2 =	vld [tilespmem:s18+$0xFFFFFFF0]  }
0x30: {  	s15 =	smul.u32 $0x8100, s30;
	s14 =	sshrl.u32 s14, $0x2;
	v0 =	vld [tilespmem:s18+$0x0]  }
0x31: {  	v1 =	vld [tilespmem:s18+$0xFFFFFFE0];
	s16 =	sor.u32 $0x4000, s14  }
0x32: {  	s31 =	sshrl.u32 s15, $0x2;
	s15 =	sadd.s32 $0x0, s16  }
0x33: {  	s17 =	simm.s32 $0x4;
	s18 =	sadd.s32 $0x40, s18;
	s14 =	sor.u32 $0x4000, s31;
	[tilespmem:s15+$0x1830 ss:$0x81] =	vst.msk $0xffff, v3  }
.LBB1_3:
0x34: {  	v3 =	vld [tilespmem:s18+$0x10];
	p1 =	sne.s32 s17, $0x1FC;
	[tilespmem:s15+$0x810 ss:$0x81] =	vst.msk $0xffff, v2;
	s19 =	smov.u32 s17;
	s17 =	sadd.s32 $0x4, s17  }
.Ltmp3:
0x35: {  	v2 =	vld [tilespmem:s18+$0xFFFFFFF0];
	[tilespmem:s15+$0x1020 ss:$0x81] =	vst.msk $0xffff, v0;
	(pc) =	sbr.rel @p1 .LBB1_3-.Ltmp3, $4  }
0x36: {  	v0 =	vld [tilespmem:s18+$0x0];
	[tilespmem:s15+$0x0 ss:$0x81] =	vst.msk $0xffff, v1  }
0x37: {  	s15 =	sshra.s32 s19, $0x2;
	v1 =	vld [tilespmem:s18+$0xFFFFFFE0]  }
0x38: {  	s15 =	sadd.s32 s15, s16  }
0x39: {  	s18 =	sadd.s32 $0x40, s18;
	[tilespmem:s15+$0x1830 ss:$0x81] =	vst.msk $0xffff, v3  }
.Ltmp4:
0x3a: {  	_ = 	snop;
	(pc) =	sbr.rel .LBB1_4-.Ltmp4, $1  }
0x3b: {  	_ =	sdelay $0x3  }
.LBB1_6:
0x3c: {  	_ =	sfence.sel $0x180000  }
0x3d: {  	s2 =	simm.s32 $0x1;
	[bflag:$0x0] =	sbarrier.arrive $0xFFFF  }
0x3e: {  	s31 =	simm.s32 $0x2;
	[sflag:s2] =	ssyncpa.u1 $0x1  }
0x3f: {  	[sflag:s31] =	ssyncpa.u1 $0x1  }
0x40: {  	p0 =	sne.s32 s0, $0x0;
	_ =	strace $0x9000004A  }
0x41: {  	s0 =	sadd.s32 @!p0 $0x100000, s1;
	[bflag:$0x2] =	sbarrier.arrive $0xFFFF  }
0x42: {  	[sflag:s0] =	ssyncadd.tile.s32 @!p0 $0x1;
	_ =	shalt  }
.Lfunc_end1:
_tile_overlayer_lowered:
.L_overlay_start_2:
0x43: {  	(tag) =	ssettag $0x2  }
0x44: {  	s0 =	rddreg [dreg:$0x0];
	s2 =	stileid.u32  }
0x45: {  	s1 =	rddreg [dreg:$0x1];
	p0 =	sne.s32 s2, $0x0  }
0x46: {  	s3 =	rddreg [dreg:$0x2];
	[bflag:$0x3] =	sbarrier.arrive $0xFFFF;
	s2 =	simm.s32 @!p0 $0x1C01  }
0x47: {  	[timem:s3], [sflag:s2] =	dma.local @!p0 [hbm:s0], s1  }
0x48: {  	s0 =	simm.s32 @!p0 $0x1  }
0x49: {  	_ =	swait.ge @!p0 [sflag:s0], s1  }
0x4a: {  	s1 =	ssub.s32 @!p0 $0x0, s1;
	[sflag:s0] =	ssyncset.done @!p0 $0x0  }
0x4b: {  	[sflag:s0] =	ssyncadd.s32 @!p0 s1  }
0x4c: {  	[bflag:$0x3] =	sbarrier.arrive $0xFFFF  }
0x4d: {  	_ =	shalt  }

</sc_bundles>
